<compile_context>
chip_gen: v7x
topology: tpu7x:2x2x1
jax: 0.10.2.dev20260603
libtpu: 0.0.44.dev20260713+nightly
codegen_flags: <defaults>
</compile_context>

<pallas_src>
import functools

import jax
import jax.numpy as jnp
from jax import lax
from jax.experimental import pallas as pl
from jax.experimental.pallas import tpu as pltpu
from jax.experimental.pallas import tpu_sc as plsc

N = 10000
E = 320000
NC, NS = 2, 16
NW = NC * NS
E_W = E // NW
K = 40
CHUNKS = E_W // K
N_PAD = 10240
R_T = N_PAD // NS


def _sc_scatter(D, Kc, nbuf):
    ch = E_W // Kc
    assert ch * Kc == E_W and ch % nbuf == 0
    mesh = plsc.VectorSubcoreMesh(core_axis_name="c", subcore_axis_name="s")

    @functools.partial(
        pl.kernel,
        out_type=jax.ShapeDtypeStruct((NC, N_PAD, D), jnp.float32),
        mesh=mesh,
        compiler_params=pltpu.CompilerParams(use_tc_tiling_on_sc=False),
        scratch_types=[
            pltpu.VMEM((ch, Kc), jnp.int32),
            pltpu.VMEM((ch, Kc), jnp.int32),
            [pltpu.VMEM((Kc, D), jnp.float32) for _ in range(nbuf)],
            pltpu.VMEM_SHARED((N_PAD, D), jnp.float32),
            [pltpu.SemaphoreType.DMA for _ in range(nbuf)],
        ],
    )
    def k(g_hbm, ei_hbm, zeros_hbm, out_hbm, src_v, dst_v, rows_v,
          acc_s, sems):
        c = lax.axis_index("c")
        s = lax.axis_index("s")
        w = s * NC + c
        row0 = pl.multiple_of(s * R_T, 8)
        pltpu.sync_copy(zeros_hbm, acc_s.at[pl.ds(row0, R_T)])
        pltpu.sync_copy(ei_hbm.at[0, w], src_v)
        pltpu.sync_copy(ei_hbm.at[1, w], dst_v)
        plsc.subcore_barrier()

        for b in range(nbuf - 1):
            pltpu.async_copy(g_hbm.at[src_v.at[b]], rows_v[b], sems[b])

        def body(jo, carry):
            for b in range(nbuf):
                j = jo * nbuf + b
                pltpu.make_async_copy(g_hbm.at[src_v.at[j]], rows_v[b],
                                      sems[b]).wait()
                pltpu.sync_copy(rows_v[b], acc_s.at[dst_v.at[j]], add=True)
                jn = j + nbuf - 1
                bn = (b + nbuf - 1) % nbuf

                @pl.when(jn < ch)
                def _():
                    pltpu.async_copy(g_hbm.at[src_v.at[jn]], rows_v[bn],
                                     sems[bn])
            return carry

        lax.fori_loop(0, ch // nbuf, body, 0)
        plsc.subcore_barrier()
        pltpu.sync_copy(acc_s.at[pl.ds(row0, R_T)],
                        out_hbm.at[c, pl.ds(row0, R_T)])

    return k


_DW = 16
_KD = 80
_CHD = E_W // _KD


def _sc_degree():
    mesh = plsc.VectorSubcoreMesh(core_axis_name="c", subcore_axis_name="s")

    @functools.partial(
        pl.kernel,
        out_type=jax.ShapeDtypeStruct((NC, N_PAD, _DW), jnp.float32),
        mesh=mesh,
        compiler_params=pltpu.CompilerParams(use_tc_tiling_on_sc=False),
        scratch_types=[
            pltpu.VMEM((_CHD, _KD), jnp.int32),
            pltpu.VMEM((_KD, _DW), jnp.float32),
            pltpu.VMEM_SHARED((N_PAD, _DW), jnp.float32),
            pltpu.SemaphoreType.DMA,
        ],
    )
    def k(ei_hbm, ones_hbm, zeros_hbm, out_hbm, dst_v, ones_v, deg_s, sem):
        c = lax.axis_index("c")
        s = lax.axis_index("s")
        w = s * NC + c
        row0 = pl.multiple_of(s * R_T, 8)
        pltpu.sync_copy(zeros_hbm, deg_s.at[pl.ds(row0, R_T)])
        pltpu.sync_copy(ones_hbm, ones_v)
        pltpu.sync_copy(ei_hbm.at[1, w], dst_v)
        plsc.subcore_barrier()

        def fire(j, carry):
            pltpu.async_copy(ones_v, deg_s.at[dst_v.at[j]], sem, add=True)
            return carry

        lax.fori_loop(0, _CHD, fire, 0)

        def drain(j, carry):
            pltpu.make_async_copy(ones_v, deg_s.at[dst_v.at[0]], sem).wait()
            return carry

        lax.fori_loop(0, _CHD, drain, 0)
        plsc.subcore_barrier()
        pltpu.sync_copy(deg_s.at[pl.ds(row0, R_T)],
                        out_hbm.at[c, pl.ds(row0, R_T)])

    return k


_BR = 1000


def _tc0(x, W1):
    def body(x_ref, w_ref, h_ref):
        h_ref[...] = jnp.dot(x_ref[...], w_ref[...],
                             preferred_element_type=jnp.float32)

    return pl.pallas_call(
        body,
        grid=(N // _BR,),
        in_specs=[
            pl.BlockSpec((_BR, 128), lambda i: (i, 0)),
            pl.BlockSpec((128, 128), lambda i: (0, 0)),
        ],
        out_specs=pl.BlockSpec((_BR, 128), lambda i: (i, 0)),
        out_shape=jax.ShapeDtypeStruct((N, 128), jnp.float32),
    )(x, W1)


def _tc1(h1, deg):
    def body(h_ref, d0_ref, d1_ref, g_ref, dinv_ref):
        deg_tot = d0_ref[0][:, 0:1] + d1_ref[0][:, 0:1] + 1.0
        dinv = lax.rsqrt(deg_tot)
        g_ref[...] = h_ref[...] * dinv
        dinv_ref[...] = dinv

    return pl.pallas_call(
        body,
        grid=(N // _BR,),
        in_specs=[
            pl.BlockSpec((_BR, 128), lambda i: (i, 0)),
            pl.BlockSpec((1, _BR, _DW), lambda i: (0, i, 0)),
            pl.BlockSpec((1, _BR, _DW), lambda i: (1, i, 0)),
        ],
        out_specs=[
            pl.BlockSpec((_BR, 128), lambda i: (i, 0)),
            pl.BlockSpec((_BR, 1), lambda i: (i, 0)),
        ],
        out_shape=[
            jax.ShapeDtypeStruct((N, 128), jnp.float32),
            jax.ShapeDtypeStruct((N, 1), jnp.float32),
        ],
    )(h1, deg, deg)


def _tc2(acc1, g1, dinv, b1, W2):
    def body(a0_ref, a1_ref, g_ref, dinv_ref, b_ref, w_ref, g2_ref):
        z = dinv_ref[...] * (a0_ref[0] + a1_ref[0] + g_ref[...]) + b_ref[...]
        z = jnp.maximum(z, 0.0)
        g2_ref[...] = (
            jnp.dot(z, w_ref[...], preferred_element_type=jnp.float32)
            * dinv_ref[...])

    return pl.pallas_call(
        body,
        grid=(N // _BR,),
        in_specs=[
            pl.BlockSpec((1, _BR, 128), lambda i: (0, i, 0)),
            pl.BlockSpec((1, _BR, 128), lambda i: (1, i, 0)),
            pl.BlockSpec((_BR, 128), lambda i: (i, 0)),
            pl.BlockSpec((_BR, 1), lambda i: (i, 0)),
            pl.BlockSpec((1, 128), lambda i: (0, 0)),
            pl.BlockSpec((128, 64), lambda i: (0, 0)),
        ],
        out_specs=pl.BlockSpec((_BR, 64), lambda i: (i, 0)),
        out_shape=jax.ShapeDtypeStruct((N, 64), jnp.float32),
    )(acc1, acc1, g1, dinv, b1, W2)


def _tc3(acc2, g2, dinv, b2, Wfc, bfc):
    def body(a0_ref, a1_ref, g_ref, dinv_ref, b_ref, w_ref, bfc_ref, o_ref):
        z = dinv_ref[...] * (a0_ref[0] + a1_ref[0] + g_ref[...]) + b_ref[...]
        z = jnp.maximum(z, 0.0)
        o_ref[...] = (
            jnp.dot(z, w_ref[...], preferred_element_type=jnp.float32)
            + bfc_ref[...])[:, 0]

    return pl.pallas_call(
        body,
        grid=(1,),
        in_specs=[
            pl.BlockSpec((1, N, 64), lambda i: (0, 0, 0)),
            pl.BlockSpec((1, N, 64), lambda i: (1, 0, 0)),
            pl.BlockSpec((N, 64), lambda i: (0, 0)),
            pl.BlockSpec((N, 1), lambda i: (0, 0)),
            pl.BlockSpec((1, 64), lambda i: (0, 0)),
            pl.BlockSpec((64, 1), lambda i: (0, 0)),
            pl.BlockSpec((1, 1), lambda i: (0, 0)),
        ],
        out_specs=pl.BlockSpec((N,), lambda i: (0,)),
        out_shape=jax.ShapeDtypeStruct((N,), jnp.float32),
    )(acc2, acc2, g2, dinv, b2, Wfc, bfc)


NB1 = 5
K2, NB2 = 80, 5


def kernel(x, edge_index, W1, b1, W2, b2, Wfc, bfc):
    ei = edge_index.reshape(2, NW, CHUNKS, K)
    ei80 = edge_index.reshape(2, NW, E_W // K2, K2)
    zeros1 = jnp.zeros((R_T, _DW), jnp.float32)
    ones_k = jnp.ones((_KD, _DW), jnp.float32)
    zeros128 = jnp.zeros((R_T, 128), jnp.float32)
    zeros64 = jnp.zeros((R_T, 64), jnp.float32)

    deg = _sc_degree()(ei80, ones_k, zeros1)
    h1 = _tc0(x, W1)
    g1, dinv = _tc1(h1, deg)
    acc1 = _sc_scatter(128, K, NB1)(g1, ei, zeros128)
    g2 = _tc2(acc1, g1, dinv, b1.reshape(1, 128), W2)
    acc2 = _sc_scatter(64, K2, NB2)(g2, ei80, zeros64)
    return _tc3(acc2, g2, dinv, b2.reshape(1, 64), Wfc,
                bfc.reshape(1, 1))

# --- scband reference (transcript-rebuilt; emitter-appended) ---
"""Pipeline reference for scband-protein-gcn-4123168604928 (READ-ONLY COPY).

The authoritative reference and input builder live on the scoring server;
editing this copy changes nothing except your own understanding.
"""

import jax, jax.numpy as jnp
import numpy as np

N_NODES = 10000
N_EDGES = 320000
D_IN = 128
D_H1 = 128
D_H2 = 64


def _gcn_conv(x, src, dst, W, b, num_nodes):
    # PyG GCNConv semantics: add self-loops, symmetric normalization,
    # linear transform, then scatter-add aggregation at dst.
    loop = jnp.arange(num_nodes, dtype=src.dtype)
    src_sl = jnp.concatenate([src, loop])
    dst_sl = jnp.concatenate([dst, loop])
    ones = jnp.ones(src_sl.shape[0], dtype=x.dtype)
    deg = jnp.zeros(num_nodes, dtype=x.dtype).at[dst_sl].add(ones)
    deg_inv_sqrt = jnp.where(deg > 0, deg ** -0.5, 0.0)
    norm = deg_inv_sqrt[src_sl] * deg_inv_sqrt[dst_sl]
    h = x @ W
    msg = h[src_sl] * norm[:, None]
    out = jnp.zeros((num_nodes, h.shape[1]), dtype=h.dtype).at[dst_sl].add(msg)
    return out + b


def setup_inputs(seed: int = 0) -> dict:
    key = jax.random.key(seed)
    ks = jax.random.split(key, 9)
    x = jax.random.normal(ks[0], (N_NODES, D_IN), dtype=jnp.float32)
    edge_index = jax.random.randint(ks[1], (2, N_EDGES), 0, N_NODES, dtype=jnp.int32)
    W1 = jax.random.normal(ks[2], (D_IN, D_H1), dtype=jnp.float32) * (1.0 / np.sqrt(D_IN))
    b1 = jnp.zeros((D_H1,), dtype=jnp.float32)
    W2 = jax.random.normal(ks[3], (D_H1, D_H2), dtype=jnp.float32) * (1.0 / np.sqrt(D_H1))
    b2 = jnp.zeros((D_H2,), dtype=jnp.float32)
    Wfc = jax.random.normal(ks[4], (D_H2, 1), dtype=jnp.float32) * (1.0 / np.sqrt(D_H2))
    bfc = jnp.zeros((1,), dtype=jnp.float32)
    return {"x": x, "edge_index": edge_index, "W1": W1, "b1": b1, "W2": W2, "b2": b2, "Wfc": Wfc, "bfc": bfc}


def reference(x, edge_index, W1, b1, W2, b2, Wfc, bfc):
    src = edge_index[0]
    dst = edge_index[1]
    h = jax.nn.relu(_gcn_conv(x, src, dst, W1, b1, N_NODES))
    h = jax.nn.relu(_gcn_conv(h, src, dst, W2, b2, N_NODES))
    out = (h @ Wfc + bfc).reshape(-1)
    return out

if __name__ == "__main__":
    import jax
    _d = setup_inputs()
    print(jax.jit(kernel)(*tuple(_d.values())))

</pallas_src>

<mosaic_0001>
#map = affine_map<(d0, d1) -> (0, 0)>
#map1 = affine_map<(d0, d1) -> (0, 0, 0, 0)>
#map2 = affine_map<(d0, d1) -> (0, 0, 0)>
module attributes {stable_mosaic.version = 14 : i64} {
  func.func @k(%arg0: i32, %arg1: i32, %arg2: memref<10000x128xf32, #tpu.memory_space<hbm>>, %arg3: memref<2x32x250x40xi32, #tpu.memory_space<hbm>>, %arg4: memref<640x128xf32, #tpu.memory_space<hbm>>, %arg5: memref<2x10240x128xf32, #tpu.memory_space<hbm>>, %arg6: memref<250x40xi32, #tpu.memory_space<vmem>>, %arg7: memref<250x40xi32, #tpu.memory_space<vmem>>, %arg8: memref<40x128xf32, #tpu.memory_space<vmem>>, %arg9: memref<40x128xf32, #tpu.memory_space<vmem>>, %arg10: memref<40x128xf32, #tpu.memory_space<vmem>>, %arg11: memref<40x128xf32, #tpu.memory_space<vmem>>, %arg12: memref<40x128xf32, #tpu.memory_space<vmem>>, %arg13: memref<10240x128xf32, #tpu.memory_space<vmem_shared>>, %arg14: memref<!tpu.dma_semaphore, #tpu.memory_space<semaphore_mem>>, %arg15: memref<!tpu.dma_semaphore, #tpu.memory_space<semaphore_mem>>, %arg16: memref<!tpu.dma_semaphore, #tpu.memory_space<semaphore_mem>>, %arg17: memref<!tpu.dma_semaphore, #tpu.memory_space<semaphore_mem>>, %arg18: memref<!tpu.dma_semaphore, #tpu.memory_space<semaphore_mem>>) attributes {dimension_semantics = [#tpu.dimension_semantics<core_parallel>, #tpu.dimension_semantics<subcore_parallel>], iteration_bounds = array<i64: 2, 16>, scalar_prefetch = 0 : i64, scratch_operands = 13 : i64, tpu.core_type = #tpu.core_type<sc_vector_subcore>, window_params = [{transform_indices = #map}, {transform_indices = #map1}, {transform_indices = #map}, {transform_indices = #map2}]} {
    %mul3A = arith.constant 2 : i32
    %mul3A_0 = arith.muli %arg1, %mul3A : i32
    %add3A = arith.addi %mul3A_0, %arg0 : i32
    %mul3A_1 = arith.constant 640 : i32
    %mul3A_2 = arith.muli %arg1, %mul3A_1 : i32
    %multiple_of3A = tpu.assume_multiple %mul3A_2, 8 : i32
    "tpu.region"() ({
      %run_scoped3A_37 = tpu.sem_alloc : memref<!tpu.dma_semaphore, #tpu.memory_space<semaphore_mem>>
      %dma_start3A_38 = arith.constant 0 : i32
      %dma_start3A_39 = tpu.memref_slice %arg13[%multiple_of3A, %dma_start3A_38] : memref<10240x128xf32, #tpu.memory_space<vmem_shared>> -> memref<640x128xf32, #tpu.memory_space<vmem_shared>>
      tpu.enqueue_dma source(%arg4 : memref<640x128xf32, #tpu.memory_space<hbm>>) target(%dma_start3A_39 : memref<640x128xf32, #tpu.memory_space<vmem_shared>>) target_semaphore(%run_scoped3A_37 : memref<!tpu.dma_semaphore, #tpu.memory_space<semaphore_mem>>)
      %dma_wait3A = arith.constant 0 : i32
      %dma_wait3A_40 = tpu.memref_slice %arg13[%multiple_of3A, %dma_wait3A] : memref<10240x128xf32, #tpu.memory_space<vmem_shared>> -> memref<640x128xf32, #tpu.memory_space<vmem_shared>>
      tpu.wait_dma2 semaphore(%run_scoped3A_37 : memref<!tpu.dma_semaphore, #tpu.memory_space<semaphore_mem>>) src(%arg4 : memref<640x128xf32, #tpu.memory_space<hbm>>) dst(%dma_wait3A_40 : memref<640x128xf32, #tpu.memory_space<vmem_shared>>)
      tpu.yield
    }) : () -> ()
    %run_scoped3A = arith.constant 0 : i32
    "tpu.region"() ({
      %run_scoped3A_37 = tpu.sem_alloc : memref<!tpu.dma_semaphore, #tpu.memory_space<semaphore_mem>>
      %dma_start3A_38 = arith.constant 0 : i32
      %dma_start3A_39 = arith.constant 0 : i32
      %dma_start3A_40 = tpu.memref_slice %arg3[%run_scoped3A, %add3A, %dma_start3A_38, %dma_start3A_39] : memref<2x32x250x40xi32, #tpu.memory_space<hbm>> -> memref<1x1x250x40xi32, #tpu.memory_space<hbm>>
      %dma_start3A_41 = tpu.memref_squeeze %dma_start3A_40 : memref<1x1x250x40xi32, #tpu.memory_space<hbm>> -> memref<250x40xi32, #tpu.memory_space<hbm>>
      %dma_start3A_42 = arith.constant 0 : i32
      %dma_start3A_43 = arith.constant 0 : i32
      %dma_start3A_44 = tpu.memref_slice %arg3[%run_scoped3A, %add3A, %dma_start3A_42, %dma_start3A_43] : memref<2x32x250x40xi32, #tpu.memory_space<hbm>> -> memref<1x1x250x40xi32, #tpu.memory_space<hbm>>
      %dma_start3A_45 = tpu.memref_squeeze %dma_start3A_44 : memref<1x1x250x40xi32, #tpu.memory_space<hbm>> -> memref<250x40xi32, #tpu.memory_space<hbm>>
      tpu.enqueue_dma source(%dma_start3A_45 : memref<250x40xi32, #tpu.memory_space<hbm>>) target(%arg6 : memref<250x40xi32, #tpu.memory_space<vmem>>) target_semaphore(%run_scoped3A_37 : memref<!tpu.dma_semaphore, #tpu.memory_space<semaphore_mem>>)
      %dma_wait3A = arith.constant 0 : i32
      %dma_wait3A_46 = arith.constant 0 : i32
      %dma_wait3A_47 = tpu.memref_slice %arg3[%run_scoped3A, %add3A, %dma_wait3A, %dma_wait3A_46] : memref<2x32x250x40xi32, #tpu.memory_space<hbm>> -> memref<1x1x250x40xi32, #tpu.memory_space<hbm>>
      %dma_wait3A_48 = tpu.memref_squeeze %dma_wait3A_47 : memref<1x1x250x40xi32, #tpu.memory_space<hbm>> -> memref<250x40xi32, #tpu.memory_space<hbm>>
      %dma_wait3A_49 = arith.constant 0 : i32
      %dma_wait3A_50 = arith.constant 0 : i32
      %dma_wait3A_51 = tpu.memref_slice %arg3[%run_scoped3A, %add3A, %dma_wait3A_49, %dma_wait3A_50] : memref<2x32x250x40xi32, #tpu.memory_space<hbm>> -> memref<1x1x250x40xi32, #tpu.memory_space<hbm>>
      %dma_wait3A_52 = tpu.memref_squeeze %dma_wait3A_51 : memref<1x1x250x40xi32, #tpu.memory_space<hbm>> -> memref<250x40xi32, #tpu.memory_space<hbm>>
      tpu.wait_dma2 semaphore(%run_scoped3A_37 : memref<!tpu.dma_semaphore, #tpu.memory_space<semaphore_mem>>) src(%dma_wait3A_52 : memref<250x40xi32, #tpu.memory_space<hbm>>) dst(%arg6 : memref<250x40xi32, #tpu.memory_space<vmem>>)
      tpu.yield
    }) : () -> ()
    %run_scoped3A_3 = arith.constant 1 : i32
    "tpu.region"() ({
      %run_scoped3A_37 = tpu.sem_alloc : memref<!tpu.dma_semaphore, #tpu.memory_space<semaphore_mem>>
      %dma_start3A_38 = arith.constant 0 : i32
      %dma_start3A_39 = arith.constant 0 : i32
      %dma_start3A_40 = tpu.memref_slice %arg3[%run_scoped3A_3, %add3A, %dma_start3A_38, %dma_start3A_39] : memref<2x32x250x40xi32, #tpu.memory_space<hbm>> -> memref<1x1x250x40xi32, #tpu.memory_space<hbm>>
      %dma_start3A_41 = tpu.memref_squeeze %dma_start3A_40 : memref<1x1x250x40xi32, #tpu.memory_space<hbm>> -> memref<250x40xi32, #tpu.memory_space<hbm>>
      %dma_start3A_42 = arith.constant 0 : i32
      %dma_start3A_43 = arith.constant 0 : i32
      %dma_start3A_44 = tpu.memref_slice %arg3[%run_scoped3A_3, %add3A, %dma_start3A_42, %dma_start3A_43] : memref<2x32x250x40xi32, #tpu.memory_space<hbm>> -> memref<1x1x250x40xi32, #tpu.memory_space<hbm>>
      %dma_start3A_45 = tpu.memref_squeeze %dma_start3A_44 : memref<1x1x250x40xi32, #tpu.memory_space<hbm>> -> memref<250x40xi32, #tpu.memory_space<hbm>>
      tpu.enqueue_dma source(%dma_start3A_45 : memref<250x40xi32, #tpu.memory_space<hbm>>) target(%arg7 : memref<250x40xi32, #tpu.memory_space<vmem>>) target_semaphore(%run_scoped3A_37 : memref<!tpu.dma_semaphore, #tpu.memory_space<semaphore_mem>>)
      %dma_wait3A = arith.constant 0 : i32
      %dma_wait3A_46 = arith.constant 0 : i32
      %dma_wait3A_47 = tpu.memref_slice %arg3[%run_scoped3A_3, %add3A, %dma_wait3A, %dma_wait3A_46] : memref<2x32x250x40xi32, #tpu.memory_space<hbm>> -> memref<1x1x250x40xi32, #tpu.memory_space<hbm>>
      %dma_wait3A_48 = tpu.memref_squeeze %dma_wait3A_47 : memref<1x1x250x40xi32, #tpu.memory_space<hbm>> -> memref<250x40xi32, #tpu.memory_space<hbm>>
      %dma_wait3A_49 = arith.constant 0 : i32
      %dma_wait3A_50 = arith.constant 0 : i32
      %dma_wait3A_51 = tpu.memref_slice %arg3[%run_scoped3A_3, %add3A, %dma_wait3A_49, %dma_wait3A_50] : memref<2x32x250x40xi32, #tpu.memory_space<hbm>> -> memref<1x1x250x40xi32, #tpu.memory_space<hbm>>
      %dma_wait3A_52 = tpu.memref_squeeze %dma_wait3A_51 : memref<1x1x250x40xi32, #tpu.memory_space<hbm>> -> memref<250x40xi32, #tpu.memory_space<hbm>>
      tpu.wait_dma2 semaphore(%run_scoped3A_37 : memref<!tpu.dma_semaphore, #tpu.memory_space<semaphore_mem>>) src(%dma_wait3A_52 : memref<250x40xi32, #tpu.memory_space<hbm>>) dst(%arg7 : memref<250x40xi32, #tpu.memory_space<vmem>>)
      tpu.yield
    }) : () -> ()
    %barrier3A = arith.constant 0 : index
    tpu.barrier barrier_id(%barrier3A)
    %dma_start3A = arith.constant 0 : i32
    %dma_start3A_4 = arith.constant 0 : i32
    %dma_start3A_5 = tpu.memref_slice %arg6[%dma_start3A, %dma_start3A_4] : memref<250x40xi32, #tpu.memory_space<vmem>> -> memref<1x40xi32, #tpu.memory_space<vmem>>
    %dma_start3A_6 = tpu.memref_squeeze %dma_start3A_5 : memref<1x40xi32, #tpu.memory_space<vmem>> -> memref<40xi32, #tpu.memory_space<vmem>>
    %dma_start3A_7 = arith.constant 0 : i32
    %dma_start3A_8 = arith.constant 0 : i32
    %dma_start3A_9 = tpu.memref_slice %arg2[%dma_start3A_7, %dma_start3A_8] : memref<10000x128xf32, #tpu.memory_space<hbm>> -> memref<10000x128xf32, #tpu.memory_space<hbm>>
    tpu.enqueue_indirect_dma source(%dma_start3A_9 : memref<10000x128xf32, #tpu.memory_space<hbm>>) target(%arg8 : memref<40x128xf32, #tpu.memory_space<vmem>>) offsets(%dma_start3A_6 : memref<40xi32, #tpu.memory_space<vmem>>) semaphore(%arg14 : memref<!tpu.dma_semaphore, #tpu.memory_space<semaphore_mem>>)
    %dma_start3A_10 = arith.constant 1 : i32
    %dma_start3A_11 = arith.constant 0 : i32
    %dma_start3A_12 = tpu.memref_slice %arg6[%dma_start3A_10, %dma_start3A_11] : memref<250x40xi32, #tpu.memory_space<vmem>> -> memref<1x40xi32, #tpu.memory_space<vmem>>
    %dma_start3A_13 = tpu.memref_squeeze %dma_start3A_12 : memref<1x40xi32, #tpu.memory_space<vmem>> -> memref<40xi32, #tpu.memory_space<vmem>>
    %dma_start3A_14 = arith.constant 0 : i32
    %dma_start3A_15 = arith.constant 0 : i32
    %dma_start3A_16 = tpu.memref_slice %arg2[%dma_start3A_14, %dma_start3A_15] : memref<10000x128xf32, #tpu.memory_space<hbm>> -> memref<10000x128xf32, #tpu.memory_space<hbm>>
    tpu.enqueue_indirect_dma source(%dma_start3A_16 : memref<10000x128xf32, #tpu.memory_space<hbm>>) target(%arg9 : memref<40x128xf32, #tpu.memory_space<vmem>>) offsets(%dma_start3A_13 : memref<40xi32, #tpu.memory_space<vmem>>) semaphore(%arg15 : memref<!tpu.dma_semaphore, #tpu.memory_space<semaphore_mem>>)
    %dma_start3A_17 = arith.constant 2 : i32
    %dma_start3A_18 = arith.constant 0 : i32
    %dma_start3A_19 = tpu.memref_slice %arg6[%dma_start3A_17, %dma_start3A_18] : memref<250x40xi32, #tpu.memory_space<vmem>> -> memref<1x40xi32, #tpu.memory_space<vmem>>
    %dma_start3A_20 = tpu.memref_squeeze %dma_start3A_19 : memref<1x40xi32, #tpu.memory_space<vmem>> -> memref<40xi32, #tpu.memory_space<vmem>>
    %dma_start3A_21 = arith.constant 0 : i32
    %dma_start3A_22 = arith.constant 0 : i32
    %dma_start3A_23 = tpu.memref_slice %arg2[%dma_start3A_21, %dma_start3A_22] : memref<10000x128xf32, #tpu.memory_space<hbm>> -> memref<10000x128xf32, #tpu.memory_space<hbm>>
    tpu.enqueue_indirect_dma source(%dma_start3A_23 : memref<10000x128xf32, #tpu.memory_space<hbm>>) target(%arg10 : memref<40x128xf32, #tpu.memory_space<vmem>>) offsets(%dma_start3A_20 : memref<40xi32, #tpu.memory_space<vmem>>) semaphore(%arg16 : memref<!tpu.dma_semaphore, #tpu.memory_space<semaphore_mem>>)
    %dma_start3A_24 = arith.constant 3 : i32
    %dma_start3A_25 = arith.constant 0 : i32
    %dma_start3A_26 = tpu.memref_slice %arg6[%dma_start3A_24, %dma_start3A_25] : memref<250x40xi32, #tpu.memory_space<vmem>> -> memref<1x40xi32, #tpu.memory_space<vmem>>
    %dma_start3A_27 = tpu.memref_squeeze %dma_start3A_26 : memref<1x40xi32, #tpu.memory_space<vmem>> -> memref<40xi32, #tpu.memory_space<vmem>>
    %dma_start3A_28 = arith.constant 0 : i32
    %dma_start3A_29 = arith.constant 0 : i32
    %dma_start3A_30 = tpu.memref_slice %arg2[%dma_start3A_28, %dma_start3A_29] : memref<10000x128xf32, #tpu.memory_space<hbm>> -> memref<10000x128xf32, #tpu.memory_space<hbm>>
    tpu.enqueue_indirect_dma source(%dma_start3A_30 : memref<10000x128xf32, #tpu.memory_space<hbm>>) target(%arg11 : memref<40x128xf32, #tpu.memory_space<vmem>>) offsets(%dma_start3A_27 : memref<40xi32, #tpu.memory_space<vmem>>) semaphore(%arg17 : memref<!tpu.dma_semaphore, #tpu.memory_space<semaphore_mem>>)
    %scan3A = arith.constant 0 : i32
    %scan3A_31 = arith.constant 0 : i32
    %scan3A_32 = arith.constant 50 : i32
    %scan3A_33 = arith.addi %scan3A_31, %scan3A_32 : i32
    %scan3A_34 = arith.constant 1 : i32
    scf.for %scan3A_37 = %scan3A_31 to %scan3A_33 step %scan3A_34  : i32 {
      %mul3A_38 = arith.constant 5 : i32
      %mul3A_39 = arith.muli %scan3A_37, %mul3A_38 : i32
      %add3A_40 = arith.constant 0 : i32
      %add3A_41 = arith.addi %mul3A_39, %add3A_40 : i32
      %dma_wait3A = arith.constant 0 : i32
      %dma_wait3A_42 = tpu.memref_slice %arg6[%add3A_41, %dma_wait3A] : memref<250x40xi32, #tpu.memory_space<vmem>> -> memref<1x40xi32, #tpu.memory_space<vmem>>
      %dma_wait3A_43 = tpu.memref_squeeze %dma_wait3A_42 : memref<1x40xi32, #tpu.memory_space<vmem>> -> memref<40xi32, #tpu.memory_space<vmem>>
      %dma_wait3A_44 = arith.constant 0 : i32
      %dma_wait3A_45 = arith.constant 0 : i32
      %dma_wait3A_46 = tpu.memref_slice %arg2[%dma_wait3A_44, %dma_wait3A_45] : memref<10000x128xf32, #tpu.memory_space<hbm>> -> memref<10000x128xf32, #tpu.memory_space<hbm>>
      tpu.wait_indirect_dma semaphore(%arg14 : memref<!tpu.dma_semaphore, #tpu.memory_space<semaphore_mem>>) src(%dma_wait3A_46 : memref<10000x128xf32, #tpu.memory_space<hbm>>) dst(%arg8 : memref<40x128xf32, #tpu.memory_space<vmem>>)
      "tpu.region"() ({
        %run_scoped3A_128 = tpu.sem_alloc : memref<!tpu.dma_semaphore, #tpu.memory_space<semaphore_mem>>
        %dma_start3A_129 = arith.constant 0 : i32
        %dma_start3A_130 = tpu.memref_slice %arg7[%add3A_41, %dma_start3A_129] : memref<250x40xi32, #tpu.memory_space<vmem>> -> memref<1x40xi32, #tpu.memory_space<vmem>>
        %dma_start3A_131 = tpu.memref_squeeze %dma_start3A_130 : memref<1x40xi32, #tpu.memory_space<vmem>> -> memref<40xi32, #tpu.memory_space<vmem>>
        %dma_start3A_132 = arith.constant 0 : i32
        %dma_start3A_133 = arith.constant 0 : i32
        %dma_start3A_134 = tpu.memref_slice %arg13[%dma_start3A_132, %dma_start3A_133] : memref<10240x128xf32, #tpu.memory_space<vmem_shared>> -> memref<10240x128xf32, #tpu.memory_space<vmem_shared>>
        tpu.enqueue_indirect_dma source(%arg8 : memref<40x128xf32, #tpu.memory_space<vmem>>) target(%dma_start3A_134 : memref<10240x128xf32, #tpu.memory_space<vmem_shared>>) offsets(%dma_start3A_131 : memref<40xi32, #tpu.memory_space<vmem>>) semaphore(%run_scoped3A_128 : memref<!tpu.dma_semaphore, #tpu.memory_space<semaphore_mem>>) {add = true}
        %dma_wait3A_135 = arith.constant 0 : i32
        %dma_wait3A_136 = tpu.memref_slice %arg7[%add3A_41, %dma_wait3A_135] : memref<250x40xi32, #tpu.memory_space<vmem>> -> memref<1x40xi32, #tpu.memory_space<vmem>>
        %dma_wait3A_137 = tpu.memref_squeeze %dma_wait3A_136 : memref<1x40xi32, #tpu.memory_space<vmem>> -> memref<40xi32, #tpu.memory_space<vmem>>
        %dma_wait3A_138 = arith.constant 0 : i32
        %dma_wait3A_139 = arith.constant 0 : i32
        %dma_wait3A_140 = tpu.memref_slice %arg13[%dma_wait3A_138, %dma_wait3A_139] : memref<10240x128xf32, #tpu.memory_space<vmem_shared>> -> memref<10240x128xf32, #tpu.memory_space<vmem_shared>>
        tpu.wait_indirect_dma semaphore(%run_scoped3A_128 : memref<!tpu.dma_semaphore, #tpu.memory_space<semaphore_mem>>) src(%arg8 : memref<40x128xf32, #tpu.memory_space<vmem>>) dst(%dma_wait3A_140 : memref<10240x128xf32, #tpu.memory_space<vmem_shared>>)
        tpu.yield
      }) : () -> ()
      %add3A_47 = arith.constant 5 : i32
      %add3A_48 = arith.addi %add3A_41, %add3A_47 : i32
      %sub3A = arith.constant 1 : i32
      %sub3A_49 = arith.subi %add3A_48, %sub3A : i32
      %lt3A = arith.constant 250 : i32
      %lt3A_50 = arith.cmpi slt, %sub3A_49, %lt3A : i32
      %convert_element_type3A = arith.extui %lt3A_50 : i1 to i32
      %cond3A = arith.constant 0 : i32
      %cond3A_51 = arith.cmpi ne, %convert_element_type3A, %cond3A : i32
      scf.if %cond3A_51 {
        %dma_start3A_128 = arith.constant 0 : i32
        %dma_start3A_129 = tpu.memref_slice %arg6[%sub3A_49, %dma_start3A_128] : memref<250x40xi32, #tpu.memory_space<vmem>> -> memref<1x40xi32, #tpu.memory_space<vmem>>
        %dma_start3A_130 = tpu.memref_squeeze %dma_start3A_129 : memref<1x40xi32, #tpu.memory_space<vmem>> -> memref<40xi32, #tpu.memory_space<vmem>>
        %dma_start3A_131 = arith.constant 0 : i32
        %dma_start3A_132 = arith.constant 0 : i32
        %dma_start3A_133 = tpu.memref_slice %arg2[%dma_start3A_131, %dma_start3A_132] : memref<10000x128xf32, #tpu.memory_space<hbm>> -> memref<10000x128xf32, #tpu.memory_space<hbm>>
        tpu.enqueue_indirect_dma source(%dma_start3A_133 : memref<10000x128xf32, #tpu.memory_space<hbm>>) target(%arg12 : memref<40x128xf32, #tpu.memory_space<vmem>>) offsets(%dma_start3A_130 : memref<40xi32, #tpu.memory_space<vmem>>) semaphore(%arg18 : memref<!tpu.dma_semaphore, #tpu.memory_space<semaphore_mem>>)
      } else {
      }
      %mul3A_52 = arith.constant 5 : i32
      %mul3A_53 = arith.muli %scan3A_37, %mul3A_52 : i32
      %add3A_54 = arith.constant 1 : i32
      %add3A_55 = arith.addi %mul3A_53, %add3A_54 : i32
      %dma_wait3A_56 = arith.constant 0 : i32
      %dma_wait3A_57 = tpu.memref_slice %arg6[%add3A_55, %dma_wait3A_56] : memref<250x40xi32, #tpu.memory_space<vmem>> -> memref<1x40xi32, #tpu.memory_space<vmem>>
      %dma_wait3A_58 = tpu.memref_squeeze %dma_wait3A_57 : memref<1x40xi32, #tpu.memory_space<vmem>> -> memref<40xi32, #tpu.memory_space<vmem>>
      %dma_wait3A_59 = arith.constant 0 : i32
      %dma_wait3A_60 = arith.constant 0 : i32
      %dma_wait3A_61 = tpu.memref_slice %arg2[%dma_wait3A_59, %dma_wait3A_60] : memref<10000x128xf32, #tpu.memory_space<hbm>> -> memref<10000x128xf32, #tpu.memory_space<hbm>>
      tpu.wait_indirect_dma semaphore(%arg15 : memref<!tpu.dma_semaphore, #tpu.memory_space<semaphore_mem>>) src(%dma_wait3A_61 : memref<10000x128xf32, #tpu.memory_space<hbm>>) dst(%arg9 : memref<40x128xf32, #tpu.memory_space<vmem>>)
      "tpu.region"() ({
        %run_scoped3A_128 = tpu.sem_alloc : memref<!tpu.dma_semaphore, #tpu.memory_space<semaphore_mem>>
        %dma_start3A_129 = arith.constant 0 : i32
        %dma_start3A_130 = tpu.memref_slice %arg7[%add3A_55, %dma_start3A_129] : memref<250x40xi32, #tpu.memory_space<vmem>> -> memref<1x40xi32, #tpu.memory_space<vmem>>
        %dma_start3A_131 = tpu.memref_squeeze %dma_start3A_130 : memref<1x40xi32, #tpu.memory_space<vmem>> -> memref<40xi32, #tpu.memory_space<vmem>>
        %dma_start3A_132 = arith.constant 0 : i32
        %dma_start3A_133 = arith.constant 0 : i32
        %dma_start3A_134 = tpu.memref_slice %arg13[%dma_start3A_132, %dma_start3A_133] : memref<10240x128xf32, #tpu.memory_space<vmem_shared>> -> memref<10240x128xf32, #tpu.memory_space<vmem_shared>>
        tpu.enqueue_indirect_dma source(%arg9 : memref<40x128xf32, #tpu.memory_space<vmem>>) target(%dma_start3A_134 : memref<10240x128xf32, #tpu.memory_space<vmem_shared>>) offsets(%dma_start3A_131 : memref<40xi32, #tpu.memory_space<vmem>>) semaphore(%run_scoped3A_128 : memref<!tpu.dma_semaphore, #tpu.memory_space<semaphore_mem>>) {add = true}
        %dma_wait3A_135 = arith.constant 0 : i32
        %dma_wait3A_136 = tpu.memref_slice %arg7[%add3A_55, %dma_wait3A_135] : memref<250x40xi32, #tpu.memory_space<vmem>> -> memref<1x40xi32, #tpu.memory_space<vmem>>
        %dma_wait3A_137 = tpu.memref_squeeze %dma_wait3A_136 : memref<1x40xi32, #tpu.memory_space<vmem>> -> memref<40xi32, #tpu.memory_space<vmem>>
        %dma_wait3A_138 = arith.constant 0 : i32
        %dma_wait3A_139 = arith.constant 0 : i32
        %dma_wait3A_140 = tpu.memref_slice %arg13[%dma_wait3A_138, %dma_wait3A_139] : memref<10240x128xf32, #tpu.memory_space<vmem_shared>> -> memref<10240x128xf32, #tpu.memory_space<vmem_shared>>
        tpu.wait_indirect_dma semaphore(%run_scoped3A_128 : memref<!tpu.dma_semaphore, #tpu.memory_space<semaphore_mem>>) src(%arg9 : memref<40x128xf32, #tpu.memory_space<vmem>>) dst(%dma_wait3A_140 : memref<10240x128xf32, #tpu.memory_space<vmem_shared>>)
        tpu.yield
      }) : () -> ()
      %add3A_62 = arith.constant 5 : i32
      %add3A_63 = arith.addi %add3A_55, %add3A_62 : i32
      %sub3A_64 = arith.constant 1 : i32
      %sub3A_65 = arith.subi %add3A_63, %sub3A_64 : i32
      %lt3A_66 = arith.constant 250 : i32
      %lt3A_67 = arith.cmpi slt, %sub3A_65, %lt3A_66 : i32
      %convert_element_type3A_68 = arith.extui %lt3A_67 : i1 to i32
      %cond3A_69 = arith.constant 0 : i32
      %cond3A_70 = arith.cmpi ne, %convert_element_type3A_68, %cond3A_69 : i32
      scf.if %cond3A_70 {
        %dma_start3A_128 = arith.constant 0 : i32
        %dma_start3A_129 = tpu.memref_slice %arg6[%sub3A_65, %dma_start3A_128] : memref<250x40xi32, #tpu.memory_space<vmem>> -> memref<1x40xi32, #tpu.memory_space<vmem>>
        %dma_start3A_130 = tpu.memref_squeeze %dma_start3A_129 : memref<1x40xi32, #tpu.memory_space<vmem>> -> memref<40xi32, #tpu.memory_space<vmem>>
        %dma_start3A_131 = arith.constant 0 : i32
        %dma_start3A_132 = arith.constant 0 : i32
        %dma_start3A_133 = tpu.memref_slice %arg2[%dma_start3A_131, %dma_start3A_132] : memref<10000x128xf32, #tpu.memory_space<hbm>> -> memref<10000x128xf32, #tpu.memory_space<hbm>>
        tpu.enqueue_indirect_dma source(%dma_start3A_133 : memref<10000x128xf32, #tpu.memory_space<hbm>>) target(%arg8 : memref<40x128xf32, #tpu.memory_space<vmem>>) offsets(%dma_start3A_130 : memref<40xi32, #tpu.memory_space<vmem>>) semaphore(%arg14 : memref<!tpu.dma_semaphore, #tpu.memory_space<semaphore_mem>>)
      } else {
      }
      %mul3A_71 = arith.constant 5 : i32
      %mul3A_72 = arith.muli %scan3A_37, %mul3A_71 : i32
      %add3A_73 = arith.constant 2 : i32
      %add3A_74 = arith.addi %mul3A_72, %add3A_73 : i32
      %dma_wait3A_75 = arith.constant 0 : i32
      %dma_wait3A_76 = tpu.memref_slice %arg6[%add3A_74, %dma_wait3A_75] : memref<250x40xi32, #tpu.memory_space<vmem>> -> memref<1x40xi32, #tpu.memory_space<vmem>>
      %dma_wait3A_77 = tpu.memref_squeeze %dma_wait3A_76 : memref<1x40xi32, #tpu.memory_space<vmem>> -> memref<40xi32, #tpu.memory_space<vmem>>
      %dma_wait3A_78 = arith.constant 0 : i32
      %dma_wait3A_79 = arith.constant 0 : i32
      %dma_wait3A_80 = tpu.memref_slice %arg2[%dma_wait3A_78, %dma_wait3A_79] : memref<10000x128xf32, #tpu.memory_space<hbm>> -> memref<10000x128xf32, #tpu.memory_space<hbm>>
      tpu.wait_indirect_dma semaphore(%arg16 : memref<!tpu.dma_semaphore, #tpu.memory_space<semaphore_mem>>) src(%dma_wait3A_80 : memref<10000x128xf32, #tpu.memory_space<hbm>>) dst(%arg10 : memref<40x128xf32, #tpu.memory_space<vmem>>)
      "tpu.region"() ({
        %run_scoped3A_128 = tpu.sem_alloc : memref<!tpu.dma_semaphore, #tpu.memory_space<semaphore_mem>>
        %dma_start3A_129 = arith.constant 0 : i32
        %dma_start3A_130 = tpu.memref_slice %arg7[%add3A_74, %dma_start3A_129] : memref<250x40xi32, #tpu.memory_space<vmem>> -> memref<1x40xi32, #tpu.memory_space<vmem>>
        %dma_start3A_131 = tpu.memref_squeeze %dma_start3A_130 : memref<1x40xi32, #tpu.memory_space<vmem>> -> memref<40xi32, #tpu.memory_space<vmem>>
        %dma_start3A_132 = arith.constant 0 : i32
        %dma_start3A_133 = arith.constant 0 : i32
        %dma_start3A_134 = tpu.memref_slice %arg13[%dma_start3A_132, %dma_start3A_133] : memref<10240x128xf32, #tpu.memory_space<vmem_shared>> -> memref<10240x128xf32, #tpu.memory_space<vmem_shared>>
        tpu.enqueue_indirect_dma source(%arg10 : memref<40x128xf32, #tpu.memory_space<vmem>>) target(%dma_start3A_134 : memref<10240x128xf32, #tpu.memory_space<vmem_shared>>) offsets(%dma_start3A_131 : memref<40xi32, #tpu.memory_space<vmem>>) semaphore(%run_scoped3A_128 : memref<!tpu.dma_semaphore, #tpu.memory_space<semaphore_mem>>) {add = true}
        %dma_wait3A_135 = arith.constant 0 : i32
        %dma_wait3A_136 = tpu.memref_slice %arg7[%add3A_74, %dma_wait3A_135] : memref<250x40xi32, #tpu.memory_space<vmem>> -> memref<1x40xi32, #tpu.memory_space<vmem>>
        %dma_wait3A_137 = tpu.memref_squeeze %dma_wait3A_136 : memref<1x40xi32, #tpu.memory_space<vmem>> -> memref<40xi32, #tpu.memory_space<vmem>>
        %dma_wait3A_138 = arith.constant 0 : i32
        %dma_wait3A_139 = arith.constant 0 : i32
        %dma_wait3A_140 = tpu.memref_slice %arg13[%dma_wait3A_138, %dma_wait3A_139] : memref<10240x128xf32, #tpu.memory_space<vmem_shared>> -> memref<10240x128xf32, #tpu.memory_space<vmem_shared>>
        tpu.wait_indirect_dma semaphore(%run_scoped3A_128 : memref<!tpu.dma_semaphore, #tpu.memory_space<semaphore_mem>>) src(%arg10 : memref<40x128xf32, #tpu.memory_space<vmem>>) dst(%dma_wait3A_140 : memref<10240x128xf32, #tpu.memory_space<vmem_shared>>)
        tpu.yield
      }) : () -> ()
      %add3A_81 = arith.constant 5 : i32
      %add3A_82 = arith.addi %add3A_74, %add3A_81 : i32
      %sub3A_83 = arith.constant 1 : i32
      %sub3A_84 = arith.subi %add3A_82, %sub3A_83 : i32
      %lt3A_85 = arith.constant 250 : i32
      %lt3A_86 = arith.cmpi slt, %sub3A_84, %lt3A_85 : i32
      %convert_element_type3A_87 = arith.extui %lt3A_86 : i1 to i32
      %cond3A_88 = arith.constant 0 : i32
      %cond3A_89 = arith.cmpi ne, %convert_element_type3A_87, %cond3A_88 : i32
      scf.if %cond3A_89 {
        %dma_start3A_128 = arith.constant 0 : i32
        %dma_start3A_129 = tpu.memref_slice %arg6[%sub3A_84, %dma_start3A_128] : memref<250x40xi32, #tpu.memory_space<vmem>> -> memref<1x40xi32, #tpu.memory_space<vmem>>
        %dma_start3A_130 = tpu.memref_squeeze %dma_start3A_129 : memref<1x40xi32, #tpu.memory_space<vmem>> -> memref<40xi32, #tpu.memory_space<vmem>>
        %dma_start3A_131 = arith.constant 0 : i32
        %dma_start3A_132 = arith.constant 0 : i32
        %dma_start3A_133 = tpu.memref_slice %arg2[%dma_start3A_131, %dma_start3A_132] : memref<10000x128xf32, #tpu.memory_space<hbm>> -> memref<10000x128xf32, #tpu.memory_space<hbm>>
        tpu.enqueue_indirect_dma source(%dma_start3A_133 : memref<10000x128xf32, #tpu.memory_space<hbm>>) target(%arg9 : memref<40x128xf32, #tpu.memory_space<vmem>>) offsets(%dma_start3A_130 : memref<40xi32, #tpu.memory_space<vmem>>) semaphore(%arg15 : memref<!tpu.dma_semaphore, #tpu.memory_space<semaphore_mem>>)
      } else {
      }
      %mul3A_90 = arith.constant 5 : i32
      %mul3A_91 = arith.muli %scan3A_37, %mul3A_90 : i32
      %add3A_92 = arith.constant 3 : i32
      %add3A_93 = arith.addi %mul3A_91, %add3A_92 : i32
      %dma_wait3A_94 = arith.constant 0 : i32
      %dma_wait3A_95 = tpu.memref_slice %arg6[%add3A_93, %dma_wait3A_94] : memref<250x40xi32, #tpu.memory_space<vmem>> -> memref<1x40xi32, #tpu.memory_space<vmem>>
      %dma_wait3A_96 = tpu.memref_squeeze %dma_wait3A_95 : memref<1x40xi32, #tpu.memory_space<vmem>> -> memref<40xi32, #tpu.memory_space<vmem>>
      %dma_wait3A_97 = arith.constant 0 : i32
      %dma_wait3A_98 = arith.constant 0 : i32
      %dma_wait3A_99 = tpu.memref_slice %arg2[%dma_wait3A_97, %dma_wait3A_98] : memref<10000x128xf32, #tpu.memory_space<hbm>> -> memref<10000x128xf32, #tpu.memory_space<hbm>>
      tpu.wait_indirect_dma semaphore(%arg17 : memref<!tpu.dma_semaphore, #tpu.memory_space<semaphore_mem>>) src(%dma_wait3A_99 : memref<10000x128xf32, #tpu.memory_space<hbm>>) dst(%arg11 : memref<40x128xf32, #tpu.memory_space<vmem>>)
      "tpu.region"() ({
        %run_scoped3A_128 = tpu.sem_alloc : memref<!tpu.dma_semaphore, #tpu.memory_space<semaphore_mem>>
        %dma_start3A_129 = arith.constant 0 : i32
        %dma_start3A_130 = tpu.memref_slice %arg7[%add3A_93, %dma_start3A_129] : memref<250x40xi32, #tpu.memory_space<vmem>> -> memref<1x40xi32, #tpu.memory_space<vmem>>
        %dma_start3A_131 = tpu.memref_squeeze %dma_start3A_130 : memref<1x40xi32, #tpu.memory_space<vmem>> -> memref<40xi32, #tpu.memory_space<vmem>>
        %dma_start3A_132 = arith.constant 0 : i32
        %dma_start3A_133 = arith.constant 0 : i32
        %dma_start3A_134 = tpu.memref_slice %arg13[%dma_start3A_132, %dma_start3A_133] : memref<10240x128xf32, #tpu.memory_space<vmem_shared>> -> memref<10240x128xf32, #tpu.memory_space<vmem_shared>>
        tpu.enqueue_indirect_dma source(%arg11 : memref<40x128xf32, #tpu.memory_space<vmem>>) target(%dma_start3A_134 : memref<10240x128xf32, #tpu.memory_space<vmem_shared>>) offsets(%dma_start3A_131 : memref<40xi32, #tpu.memory_space<vmem>>) semaphore(%run_scoped3A_128 : memref<!tpu.dma_semaphore, #tpu.memory_space<semaphore_mem>>) {add = true}
        %dma_wait3A_135 = arith.constant 0 : i32
        %dma_wait3A_136 = tpu.memref_slice %arg7[%add3A_93, %dma_wait3A_135] : memref<250x40xi32, #tpu.memory_space<vmem>> -> memref<1x40xi32, #tpu.memory_space<vmem>>
        %dma_wait3A_137 = tpu.memref_squeeze %dma_wait3A_136 : memref<1x40xi32, #tpu.memory_space<vmem>> -> memref<40xi32, #tpu.memory_space<vmem>>
        %dma_wait3A_138 = arith.constant 0 : i32
        %dma_wait3A_139 = arith.constant 0 : i32
        %dma_wait3A_140 = tpu.memref_slice %arg13[%dma_wait3A_138, %dma_wait3A_139] : memref<10240x128xf32, #tpu.memory_space<vmem_shared>> -> memref<10240x128xf32, #tpu.memory_space<vmem_shared>>
        tpu.wait_indirect_dma semaphore(%run_scoped3A_128 : memref<!tpu.dma_semaphore, #tpu.memory_space<semaphore_mem>>) src(%arg11 : memref<40x128xf32, #tpu.memory_space<vmem>>) dst(%dma_wait3A_140 : memref<10240x128xf32, #tpu.memory_space<vmem_shared>>)
        tpu.yield
      }) : () -> ()
      %add3A_100 = arith.constant 5 : i32
      %add3A_101 = arith.addi %add3A_93, %add3A_100 : i32
      %sub3A_102 = arith.constant 1 : i32
      %sub3A_103 = arith.subi %add3A_101, %sub3A_102 : i32
      %lt3A_104 = arith.constant 250 : i32
      %lt3A_105 = arith.cmpi slt, %sub3A_103, %lt3A_104 : i32
      %convert_element_type3A_106 = arith.extui %lt3A_105 : i1 to i32
      %cond3A_107 = arith.constant 0 : i32
      %cond3A_108 = arith.cmpi ne, %convert_element_type3A_106, %cond3A_107 : i32
      scf.if %cond3A_108 {
        %dma_start3A_128 = arith.constant 0 : i32
        %dma_start3A_129 = tpu.memref_slice %arg6[%sub3A_103, %dma_start3A_128] : memref<250x40xi32, #tpu.memory_space<vmem>> -> memref<1x40xi32, #tpu.memory_space<vmem>>
        %dma_start3A_130 = tpu.memref_squeeze %dma_start3A_129 : memref<1x40xi32, #tpu.memory_space<vmem>> -> memref<40xi32, #tpu.memory_space<vmem>>
        %dma_start3A_131 = arith.constant 0 : i32
        %dma_start3A_132 = arith.constant 0 : i32
        %dma_start3A_133 = tpu.memref_slice %arg2[%dma_start3A_131, %dma_start3A_132] : memref<10000x128xf32, #tpu.memory_space<hbm>> -> memref<10000x128xf32, #tpu.memory_space<hbm>>
        tpu.enqueue_indirect_dma source(%dma_start3A_133 : memref<10000x128xf32, #tpu.memory_space<hbm>>) target(%arg10 : memref<40x128xf32, #tpu.memory_space<vmem>>) offsets(%dma_start3A_130 : memref<40xi32, #tpu.memory_space<vmem>>) semaphore(%arg16 : memref<!tpu.dma_semaphore, #tpu.memory_space<semaphore_mem>>)
      } else {
      }
      %mul3A_109 = arith.constant 5 : i32
      %mul3A_110 = arith.muli %scan3A_37, %mul3A_109 : i32
      %add3A_111 = arith.constant 4 : i32
      %add3A_112 = arith.addi %mul3A_110, %add3A_111 : i32
      %dma_wait3A_113 = arith.constant 0 : i32
      %dma_wait3A_114 = tpu.memref_slice %arg6[%add3A_112, %dma_wait3A_113] : memref<250x40xi32, #tpu.memory_space<vmem>> -> memref<1x40xi32, #tpu.memory_space<vmem>>
      %dma_wait3A_115 = tpu.memref_squeeze %dma_wait3A_114 : memref<1x40xi32, #tpu.memory_space<vmem>> -> memref<40xi32, #tpu.memory_space<vmem>>
      %dma_wait3A_116 = arith.constant 0 : i32
      %dma_wait3A_117 = arith.constant 0 : i32
      %dma_wait3A_118 = tpu.memref_slice %arg2[%dma_wait3A_116, %dma_wait3A_117] : memref<10000x128xf32, #tpu.memory_space<hbm>> -> memref<10000x128xf32, #tpu.memory_space<hbm>>
      tpu.wait_indirect_dma semaphore(%arg18 : memref<!tpu.dma_semaphore, #tpu.memory_space<semaphore_mem>>) src(%dma_wait3A_118 : memref<10000x128xf32, #tpu.memory_space<hbm>>) dst(%arg12 : memref<40x128xf32, #tpu.memory_space<vmem>>)
      "tpu.region"() ({
        %run_scoped3A_128 = tpu.sem_alloc : memref<!tpu.dma_semaphore, #tpu.memory_space<semaphore_mem>>
        %dma_start3A_129 = arith.constant 0 : i32
        %dma_start3A_130 = tpu.memref_slice %arg7[%add3A_112, %dma_start3A_129] : memref<250x40xi32, #tpu.memory_space<vmem>> -> memref<1x40xi32, #tpu.memory_space<vmem>>
        %dma_start3A_131 = tpu.memref_squeeze %dma_start3A_130 : memref<1x40xi32, #tpu.memory_space<vmem>> -> memref<40xi32, #tpu.memory_space<vmem>>
        %dma_start3A_132 = arith.constant 0 : i32
        %dma_start3A_133 = arith.constant 0 : i32
        %dma_start3A_134 = tpu.memref_slice %arg13[%dma_start3A_132, %dma_start3A_133] : memref<10240x128xf32, #tpu.memory_space<vmem_shared>> -> memref<10240x128xf32, #tpu.memory_space<vmem_shared>>
        tpu.enqueue_indirect_dma source(%arg12 : memref<40x128xf32, #tpu.memory_space<vmem>>) target(%dma_start3A_134 : memref<10240x128xf32, #tpu.memory_space<vmem_shared>>) offsets(%dma_start3A_131 : memref<40xi32, #tpu.memory_space<vmem>>) semaphore(%run_scoped3A_128 : memref<!tpu.dma_semaphore, #tpu.memory_space<semaphore_mem>>) {add = true}
        %dma_wait3A_135 = arith.constant 0 : i32
        %dma_wait3A_136 = tpu.memref_slice %arg7[%add3A_112, %dma_wait3A_135] : memref<250x40xi32, #tpu.memory_space<vmem>> -> memref<1x40xi32, #tpu.memory_space<vmem>>
        %dma_wait3A_137 = tpu.memref_squeeze %dma_wait3A_136 : memref<1x40xi32, #tpu.memory_space<vmem>> -> memref<40xi32, #tpu.memory_space<vmem>>
        %dma_wait3A_138 = arith.constant 0 : i32
        %dma_wait3A_139 = arith.constant 0 : i32
        %dma_wait3A_140 = tpu.memref_slice %arg13[%dma_wait3A_138, %dma_wait3A_139] : memref<10240x128xf32, #tpu.memory_space<vmem_shared>> -> memref<10240x128xf32, #tpu.memory_space<vmem_shared>>
        tpu.wait_indirect_dma semaphore(%run_scoped3A_128 : memref<!tpu.dma_semaphore, #tpu.memory_space<semaphore_mem>>) src(%arg12 : memref<40x128xf32, #tpu.memory_space<vmem>>) dst(%dma_wait3A_140 : memref<10240x128xf32, #tpu.memory_space<vmem_shared>>)
        tpu.yield
      }) : () -> ()
      %add3A_119 = arith.constant 5 : i32
      %add3A_120 = arith.addi %add3A_112, %add3A_119 : i32
      %sub3A_121 = arith.constant 1 : i32
      %sub3A_122 = arith.subi %add3A_120, %sub3A_121 : i32
      %lt3A_123 = arith.constant 250 : i32
      %lt3A_124 = arith.cmpi slt, %sub3A_122, %lt3A_123 : i32
      %convert_element_type3A_125 = arith.extui %lt3A_124 : i1 to i32
      %cond3A_126 = arith.constant 0 : i32
      %cond3A_127 = arith.cmpi ne, %convert_element_type3A_125, %cond3A_126 : i32
      scf.if %cond3A_127 {
        %dma_start3A_128 = arith.constant 0 : i32
        %dma_start3A_129 = tpu.memref_slice %arg6[%sub3A_122, %dma_start3A_128] : memref<250x40xi32, #tpu.memory_space<vmem>> -> memref<1x40xi32, #tpu.memory_space<vmem>>
        %dma_start3A_130 = tpu.memref_squeeze %dma_start3A_129 : memref<1x40xi32, #tpu.memory_space<vmem>> -> memref<40xi32, #tpu.memory_space<vmem>>
        %dma_start3A_131 = arith.constant 0 : i32
        %dma_start3A_132 = arith.constant 0 : i32
        %dma_start3A_133 = tpu.memref_slice %arg2[%dma_start3A_131, %dma_start3A_132] : memref<10000x128xf32, #tpu.memory_space<hbm>> -> memref<10000x128xf32, #tpu.memory_space<hbm>>
        tpu.enqueue_indirect_dma source(%dma_start3A_133 : memref<10000x128xf32, #tpu.memory_space<hbm>>) target(%arg11 : memref<40x128xf32, #tpu.memory_space<vmem>>) offsets(%dma_start3A_130 : memref<40xi32, #tpu.memory_space<vmem>>) semaphore(%arg17 : memref<!tpu.dma_semaphore, #tpu.memory_space<semaphore_mem>>)
      } else {
      }
    }
    %scan3A_35 = arith.constant 50 : i32
    %barrier3A_36 = arith.constant 0 : index
    tpu.barrier barrier_id(%barrier3A_36)
    "tpu.region"() ({
      %run_scoped3A_37 = tpu.sem_alloc : memref<!tpu.dma_semaphore, #tpu.memory_space<semaphore_mem>>
      %dma_start3A_38 = arith.constant 0 : i32
      %dma_start3A_39 = tpu.memref_slice %arg5[%arg0, %multiple_of3A, %dma_start3A_38] : memref<2x10240x128xf32, #tpu.memory_space<hbm>> -> memref<1x640x128xf32, #tpu.memory_space<hbm>>
      %dma_start3A_40 = tpu.memref_squeeze %dma_start3A_39 : memref<1x640x128xf32, #tpu.memory_space<hbm>> -> memref<640x128xf32, #tpu.memory_space<hbm>>
      %dma_start3A_41 = arith.constant 0 : i32
      %dma_start3A_42 = tpu.memref_slice %arg13[%multiple_of3A, %dma_start3A_41] : memref<10240x128xf32, #tpu.memory_space<vmem_shared>> -> memref<640x128xf32, #tpu.memory_space<vmem_shared>>
      tpu.enqueue_dma source(%dma_start3A_42 : memref<640x128xf32, #tpu.memory_space<vmem_shared>>) target(%dma_start3A_40 : memref<640x128xf32, #tpu.memory_space<hbm>>) target_semaphore(%run_scoped3A_37 : memref<!tpu.dma_semaphore, #tpu.memory_space<semaphore_mem>>)
      %dma_wait3A = arith.constant 0 : i32
      %dma_wait3A_43 = tpu.memref_slice %arg5[%arg0, %multiple_of3A, %dma_wait3A] : memref<2x10240x128xf32, #tpu.memory_space<hbm>> -> memref<1x640x128xf32, #tpu.memory_space<hbm>>
      %dma_wait3A_44 = tpu.memref_squeeze %dma_wait3A_43 : memref<1x640x128xf32, #tpu.memory_space<hbm>> -> memref<640x128xf32, #tpu.memory_space<hbm>>
      %dma_wait3A_45 = arith.constant 0 : i32
      %dma_wait3A_46 = tpu.memref_slice %arg13[%multiple_of3A, %dma_wait3A_45] : memref<10240x128xf32, #tpu.memory_space<vmem_shared>> -> memref<640x128xf32, #tpu.memory_space<vmem_shared>>
      tpu.wait_dma2 semaphore(%run_scoped3A_37 : memref<!tpu.dma_semaphore, #tpu.memory_space<semaphore_mem>>) src(%dma_wait3A_46 : memref<640x128xf32, #tpu.memory_space<vmem_shared>>) dst(%dma_wait3A_44 : memref<640x128xf32, #tpu.memory_space<hbm>>)
      tpu.yield
    }) : () -> ()
    return
  }
}

#map = affine_map<(d0, d1) -> (0, 0, 0, 0)>
#map1 = affine_map<(d0, d1) -> (0, 0)>
#map2 = affine_map<(d0, d1) -> (0, 0, 0)>
module attributes {stable_mosaic.version = 14 : i64} {
  func.func @k(%arg0: i32, %arg1: i32, %arg2: memref<2x32x125x80xi32, #tpu.memory_space<hbm>>, %arg3: memref<80x16xf32, #tpu.memory_space<hbm>>, %arg4: memref<640x16xf32, #tpu.memory_space<hbm>>, %arg5: memref<2x10240x16xf32, #tpu.memory_space<hbm>>, %arg6: memref<125x80xi32, #tpu.memory_space<vmem>>, %arg7: memref<80x16xf32, #tpu.memory_space<vmem>>, %arg8: memref<10240x16xf32, #tpu.memory_space<vmem_shared>>, %arg9: memref<!tpu.dma_semaphore, #tpu.memory_space<semaphore_mem>>) attributes {dimension_semantics = [#tpu.dimension_semantics<core_parallel>, #tpu.dimension_semantics<subcore_parallel>], iteration_bounds = array<i64: 2, 16>, scalar_prefetch = 0 : i64, scratch_operands = 4 : i64, tpu.core_type = #tpu.core_type<sc_vector_subcore>, window_params = [{transform_indices = #map}, {transform_indices = #map1}, {transform_indices = #map1}, {transform_indices = #map2}]} {
    %mul3A = arith.constant 2 : i32
    %mul3A_0 = arith.muli %arg1, %mul3A : i32
    %add3A = arith.addi %mul3A_0, %arg0 : i32
    %mul3A_1 = arith.constant 640 : i32
    %mul3A_2 = arith.muli %arg1, %mul3A_1 : i32
    %multiple_of3A = tpu.assume_multiple %mul3A_2, 8 : i32
    "tpu.region"() ({
      %run_scoped3A_15 = tpu.sem_alloc : memref<!tpu.dma_semaphore, #tpu.memory_space<semaphore_mem>>
      %dma_start3A = arith.constant 0 : i32
      %dma_start3A_16 = tpu.memref_slice %arg8[%multiple_of3A, %dma_start3A] : memref<10240x16xf32, #tpu.memory_space<vmem_shared>> -> memref<640x16xf32, #tpu.memory_space<vmem_shared>>
      tpu.enqueue_dma source(%arg4 : memref<640x16xf32, #tpu.memory_space<hbm>>) target(%dma_start3A_16 : memref<640x16xf32, #tpu.memory_space<vmem_shared>>) target_semaphore(%run_scoped3A_15 : memref<!tpu.dma_semaphore, #tpu.memory_space<semaphore_mem>>)
      %dma_wait3A = arith.constant 0 : i32
      %dma_wait3A_17 = tpu.memref_slice %arg8[%multiple_of3A, %dma_wait3A] : memref<10240x16xf32, #tpu.memory_space<vmem_shared>> -> memref<640x16xf32, #tpu.memory_space<vmem_shared>>
      tpu.wait_dma2 semaphore(%run_scoped3A_15 : memref<!tpu.dma_semaphore, #tpu.memory_space<semaphore_mem>>) src(%arg4 : memref<640x16xf32, #tpu.memory_space<hbm>>) dst(%dma_wait3A_17 : memref<640x16xf32, #tpu.memory_space<vmem_shared>>)
      tpu.yield
    }) : () -> ()
    "tpu.region"() ({
      %run_scoped3A_15 = tpu.sem_alloc : memref<!tpu.dma_semaphore, #tpu.memory_space<semaphore_mem>>
      tpu.enqueue_dma source(%arg3 : memref<80x16xf32, #tpu.memory_space<hbm>>) target(%arg7 : memref<80x16xf32, #tpu.memory_space<vmem>>) target_semaphore(%run_scoped3A_15 : memref<!tpu.dma_semaphore, #tpu.memory_space<semaphore_mem>>)
      tpu.wait_dma2 semaphore(%run_scoped3A_15 : memref<!tpu.dma_semaphore, #tpu.memory_space<semaphore_mem>>) src(%arg3 : memref<80x16xf32, #tpu.memory_space<hbm>>) dst(%arg7 : memref<80x16xf32, #tpu.memory_space<vmem>>)
      tpu.yield
    }) : () -> ()
    %run_scoped3A = arith.constant 1 : i32
    "tpu.region"() ({
      %run_scoped3A_15 = tpu.sem_alloc : memref<!tpu.dma_semaphore, #tpu.memory_space<semaphore_mem>>
      %dma_start3A = arith.constant 0 : i32
      %dma_start3A_16 = arith.constant 0 : i32
      %dma_start3A_17 = tpu.memref_slice %arg2[%run_scoped3A, %add3A, %dma_start3A, %dma_start3A_16] : memref<2x32x125x80xi32, #tpu.memory_space<hbm>> -> memref<1x1x125x80xi32, #tpu.memory_space<hbm>>
      %dma_start3A_18 = tpu.memref_squeeze %dma_start3A_17 : memref<1x1x125x80xi32, #tpu.memory_space<hbm>> -> memref<125x80xi32, #tpu.memory_space<hbm>>
      %dma_start3A_19 = arith.constant 0 : i32
      %dma_start3A_20 = arith.constant 0 : i32
      %dma_start3A_21 = tpu.memref_slice %arg2[%run_scoped3A, %add3A, %dma_start3A_19, %dma_start3A_20] : memref<2x32x125x80xi32, #tpu.memory_space<hbm>> -> memref<1x1x125x80xi32, #tpu.memory_space<hbm>>
      %dma_start3A_22 = tpu.memref_squeeze %dma_start3A_21 : memref<1x1x125x80xi32, #tpu.memory_space<hbm>> -> memref<125x80xi32, #tpu.memory_space<hbm>>
      tpu.enqueue_dma source(%dma_start3A_22 : memref<125x80xi32, #tpu.memory_space<hbm>>) target(%arg6 : memref<125x80xi32, #tpu.memory_space<vmem>>) target_semaphore(%run_scoped3A_15 : memref<!tpu.dma_semaphore, #tpu.memory_space<semaphore_mem>>)
      %dma_wait3A = arith.constant 0 : i32
      %dma_wait3A_23 = arith.constant 0 : i32
      %dma_wait3A_24 = tpu.memref_slice %arg2[%run_scoped3A, %add3A, %dma_wait3A, %dma_wait3A_23] : memref<2x32x125x80xi32, #tpu.memory_space<hbm>> -> memref<1x1x125x80xi32, #tpu.memory_space<hbm>>
      %dma_wait3A_25 = tpu.memref_squeeze %dma_wait3A_24 : memref<1x1x125x80xi32, #tpu.memory_space<hbm>> -> memref<125x80xi32, #tpu.memory_space<hbm>>
      %dma_wait3A_26 = arith.constant 0 : i32
      %dma_wait3A_27 = arith.constant 0 : i32
      %dma_wait3A_28 = tpu.memref_slice %arg2[%run_scoped3A, %add3A, %dma_wait3A_26, %dma_wait3A_27] : memref<2x32x125x80xi32, #tpu.memory_space<hbm>> -> memref<1x1x125x80xi32, #tpu.memory_space<hbm>>
      %dma_wait3A_29 = tpu.memref_squeeze %dma_wait3A_28 : memref<1x1x125x80xi32, #tpu.memory_space<hbm>> -> memref<125x80xi32, #tpu.memory_space<hbm>>
      tpu.wait_dma2 semaphore(%run_scoped3A_15 : memref<!tpu.dma_semaphore, #tpu.memory_space<semaphore_mem>>) src(%dma_wait3A_29 : memref<125x80xi32, #tpu.memory_space<hbm>>) dst(%arg6 : memref<125x80xi32, #tpu.memory_space<vmem>>)
      tpu.yield
    }) : () -> ()
    %barrier3A = arith.constant 0 : index
    tpu.barrier barrier_id(%barrier3A)
    %scan3A = arith.constant 0 : i32
    %scan3A_3 = arith.constant 0 : i32
    %scan3A_4 = arith.constant 125 : i32
    %scan3A_5 = arith.addi %scan3A_3, %scan3A_4 : i32
    %scan3A_6 = arith.constant 1 : i32
    scf.for %scan3A_15 = %scan3A_3 to %scan3A_5 step %scan3A_6  : i32 {
      %dma_start3A = arith.constant 0 : i32
      %dma_start3A_16 = tpu.memref_slice %arg6[%scan3A_15, %dma_start3A] : memref<125x80xi32, #tpu.memory_space<vmem>> -> memref<1x80xi32, #tpu.memory_space<vmem>>
      %dma_start3A_17 = tpu.memref_squeeze %dma_start3A_16 : memref<1x80xi32, #tpu.memory_space<vmem>> -> memref<80xi32, #tpu.memory_space<vmem>>
      %dma_start3A_18 = arith.constant 0 : i32
      %dma_start3A_19 = arith.constant 0 : i32
      %dma_start3A_20 = tpu.memref_slice %arg8[%dma_start3A_18, %dma_start3A_19] : memref<10240x16xf32, #tpu.memory_space<vmem_shared>> -> memref<10240x16xf32, #tpu.memory_space<vmem_shared>>
      tpu.enqueue_indirect_dma source(%arg7 : memref<80x16xf32, #tpu.memory_space<vmem>>) target(%dma_start3A_20 : memref<10240x16xf32, #tpu.memory_space<vmem_shared>>) offsets(%dma_start3A_17 : memref<80xi32, #tpu.memory_space<vmem>>) semaphore(%arg9 : memref<!tpu.dma_semaphore, #tpu.memory_space<semaphore_mem>>) {add = true}
    }
    %scan3A_7 = arith.constant 125 : i32
    %scan3A_8 = arith.constant 0 : i32
    %scan3A_9 = arith.constant 0 : i32
    %scan3A_10 = arith.constant 125 : i32
    %scan3A_11 = arith.addi %scan3A_9, %scan3A_10 : i32
    %scan3A_12 = arith.constant 1 : i32
    scf.for %scan3A_15 = %scan3A_9 to %scan3A_11 step %scan3A_12  : i32 {
      %dma_wait3A = arith.constant 0 : i32
      %dma_wait3A_16 = arith.constant 0 : i32
      %dma_wait3A_17 = tpu.memref_slice %arg6[%dma_wait3A, %dma_wait3A_16] : memref<125x80xi32, #tpu.memory_space<vmem>> -> memref<1x80xi32, #tpu.memory_space<vmem>>
      %dma_wait3A_18 = tpu.memref_squeeze %dma_wait3A_17 : memref<1x80xi32, #tpu.memory_space<vmem>> -> memref<80xi32, #tpu.memory_space<vmem>>
      %dma_wait3A_19 = arith.constant 0 : i32
      %dma_wait3A_20 = arith.constant 0 : i32
      %dma_wait3A_21 = tpu.memref_slice %arg8[%dma_wait3A_19, %dma_wait3A_20] : memref<10240x16xf32, #tpu.memory_space<vmem_shared>> -> memref<10240x16xf32, #tpu.memory_space<vmem_shared>>
      tpu.wait_indirect_dma semaphore(%arg9 : memref<!tpu.dma_semaphore, #tpu.memory_space<semaphore_mem>>) src(%arg7 : memref<80x16xf32, #tpu.memory_space<vmem>>) dst(%dma_wait3A_21 : memref<10240x16xf32, #tpu.memory_space<vmem_shared>>)
    }
    %scan3A_13 = arith.constant 125 : i32
    %barrier3A_14 = arith.constant 0 : index
    tpu.barrier barrier_id(%barrier3A_14)
    "tpu.region"() ({
      %run_scoped3A_15 = tpu.sem_alloc : memref<!tpu.dma_semaphore, #tpu.memory_space<semaphore_mem>>
      %dma_start3A = arith.constant 0 : i32
      %dma_start3A_16 = tpu.memref_slice %arg5[%arg0, %multiple_of3A, %dma_start3A] : memref<2x10240x16xf32, #tpu.memory_space<hbm>> -> memref<1x640x16xf32, #tpu.memory_space<hbm>>
      %dma_start3A_17 = tpu.memref_squeeze %dma_start3A_16 : memref<1x640x16xf32, #tpu.memory_space<hbm>> -> memref<640x16xf32, #tpu.memory_space<hbm>>
      %dma_start3A_18 = arith.constant 0 : i32
      %dma_start3A_19 = tpu.memref_slice %arg8[%multiple_of3A, %dma_start3A_18] : memref<10240x16xf32, #tpu.memory_space<vmem_shared>> -> memref<640x16xf32, #tpu.memory_space<vmem_shared>>
      tpu.enqueue_dma source(%dma_start3A_19 : memref<640x16xf32, #tpu.memory_space<vmem_shared>>) target(%dma_start3A_17 : memref<640x16xf32, #tpu.memory_space<hbm>>) target_semaphore(%run_scoped3A_15 : memref<!tpu.dma_semaphore, #tpu.memory_space<semaphore_mem>>)
      %dma_wait3A = arith.constant 0 : i32
      %dma_wait3A_20 = tpu.memref_slice %arg5[%arg0, %multiple_of3A, %dma_wait3A] : memref<2x10240x16xf32, #tpu.memory_space<hbm>> -> memref<1x640x16xf32, #tpu.memory_space<hbm>>
      %dma_wait3A_21 = tpu.memref_squeeze %dma_wait3A_20 : memref<1x640x16xf32, #tpu.memory_space<hbm>> -> memref<640x16xf32, #tpu.memory_space<hbm>>
      %dma_wait3A_22 = arith.constant 0 : i32
      %dma_wait3A_23 = tpu.memref_slice %arg8[%multiple_of3A, %dma_wait3A_22] : memref<10240x16xf32, #tpu.memory_space<vmem_shared>> -> memref<640x16xf32, #tpu.memory_space<vmem_shared>>
      tpu.wait_dma2 semaphore(%run_scoped3A_15 : memref<!tpu.dma_semaphore, #tpu.memory_space<semaphore_mem>>) src(%dma_wait3A_23 : memref<640x16xf32, #tpu.memory_space<vmem_shared>>) dst(%dma_wait3A_21 : memref<640x16xf32, #tpu.memory_space<hbm>>)
      tpu.yield
    }) : () -> ()
    return
  }
}

#map = affine_map<(d0, d1) -> (0, 0)>
#map1 = affine_map<(d0, d1) -> (0, 0, 0, 0)>
#map2 = affine_map<(d0, d1) -> (0, 0, 0)>
module attributes {stable_mosaic.version = 14 : i64} {
  func.func @k(%arg0: i32, %arg1: i32, %arg2: memref<10000x64xf32, #tpu.memory_space<hbm>>, %arg3: memref<2x32x125x80xi32, #tpu.memory_space<hbm>>, %arg4: memref<640x64xf32, #tpu.memory_space<hbm>>, %arg5: memref<2x10240x64xf32, #tpu.memory_space<hbm>>, %arg6: memref<125x80xi32, #tpu.memory_space<vmem>>, %arg7: memref<125x80xi32, #tpu.memory_space<vmem>>, %arg8: memref<80x64xf32, #tpu.memory_space<vmem>>, %arg9: memref<80x64xf32, #tpu.memory_space<vmem>>, %arg10: memref<80x64xf32, #tpu.memory_space<vmem>>, %arg11: memref<80x64xf32, #tpu.memory_space<vmem>>, %arg12: memref<80x64xf32, #tpu.memory_space<vmem>>, %arg13: memref<10240x64xf32, #tpu.memory_space<vmem_shared>>, %arg14: memref<!tpu.dma_semaphore, #tpu.memory_space<semaphore_mem>>, %arg15: memref<!tpu.dma_semaphore, #tpu.memory_space<semaphore_mem>>, %arg16: memref<!tpu.dma_semaphore, #tpu.memory_space<semaphore_mem>>, %arg17: memref<!tpu.dma_semaphore, #tpu.memory_space<semaphore_mem>>, %arg18: memref<!tpu.dma_semaphore, #tpu.memory_space<semaphore_mem>>) attributes {dimension_semantics = [#tpu.dimension_semantics<core_parallel>, #tpu.dimension_semantics<subcore_parallel>], iteration_bounds = array<i64: 2, 16>, scalar_prefetch = 0 : i64, scratch_operands = 13 : i64, tpu.core_type = #tpu.core_type<sc_vector_subcore>, window_params = [{transform_indices = #map}, {transform_indices = #map1}, {transform_indices = #map}, {transform_indices = #map2}]} {
    %mul3A = arith.constant 2 : i32
    %mul3A_0 = arith.muli %arg1, %mul3A : i32
    %add3A = arith.addi %mul3A_0, %arg0 : i32
    %mul3A_1 = arith.constant 640 : i32
    %mul3A_2 = arith.muli %arg1, %mul3A_1 : i32
    %multiple_of3A = tpu.assume_multiple %mul3A_2, 8 : i32
    "tpu.region"() ({
      %run_scoped3A_37 = tpu.sem_alloc : memref<!tpu.dma_semaphore, #tpu.memory_space<semaphore_mem>>
      %dma_start3A_38 = arith.constant 0 : i32
      %dma_start3A_39 = tpu.memref_slice %arg13[%multiple_of3A, %dma_start3A_38] : memref<10240x64xf32, #tpu.memory_space<vmem_shared>> -> memref<640x64xf32, #tpu.memory_space<vmem_shared>>
      tpu.enqueue_dma source(%arg4 : memref<640x64xf32, #tpu.memory_space<hbm>>) target(%dma_start3A_39 : memref<640x64xf32, #tpu.memory_space<vmem_shared>>) target_semaphore(%run_scoped3A_37 : memref<!tpu.dma_semaphore, #tpu.memory_space<semaphore_mem>>)
      %dma_wait3A = arith.constant 0 : i32
      %dma_wait3A_40 = tpu.memref_slice %arg13[%multiple_of3A, %dma_wait3A] : memref<10240x64xf32, #tpu.memory_space<vmem_shared>> -> memref<640x64xf32, #tpu.memory_space<vmem_shared>>
      tpu.wait_dma2 semaphore(%run_scoped3A_37 : memref<!tpu.dma_semaphore, #tpu.memory_space<semaphore_mem>>) src(%arg4 : memref<640x64xf32, #tpu.memory_space<hbm>>) dst(%dma_wait3A_40 : memref<640x64xf32, #tpu.memory_space<vmem_shared>>)
      tpu.yield
    }) : () -> ()
    %run_scoped3A = arith.constant 0 : i32
    "tpu.region"() ({
      %run_scoped3A_37 = tpu.sem_alloc : memref<!tpu.dma_semaphore, #tpu.memory_space<semaphore_mem>>
      %dma_start3A_38 = arith.constant 0 : i32
      %dma_start3A_39 = arith.constant 0 : i32
      %dma_start3A_40 = tpu.memref_slice %arg3[%run_scoped3A, %add3A, %dma_start3A_38, %dma_start3A_39] : memref<2x32x125x80xi32, #tpu.memory_space<hbm>> -> memref<1x1x125x80xi32, #tpu.memory_space<hbm>>
      %dma_start3A_41 = tpu.memref_squeeze %dma_start3A_40 : memref<1x1x125x80xi32, #tpu.memory_space<hbm>> -> memref<125x80xi32, #tpu.memory_space<hbm>>
      %dma_start3A_42 = arith.constant 0 : i32
      %dma_start3A_43 = arith.constant 0 : i32
      %dma_start3A_44 = tpu.memref_slice %arg3[%run_scoped3A, %add3A, %dma_start3A_42, %dma_start3A_43] : memref<2x32x125x80xi32, #tpu.memory_space<hbm>> -> memref<1x1x125x80xi32, #tpu.memory_space<hbm>>
      %dma_start3A_45 = tpu.memref_squeeze %dma_start3A_44 : memref<1x1x125x80xi32, #tpu.memory_space<hbm>> -> memref<125x80xi32, #tpu.memory_space<hbm>>
      tpu.enqueue_dma source(%dma_start3A_45 : memref<125x80xi32, #tpu.memory_space<hbm>>) target(%arg6 : memref<125x80xi32, #tpu.memory_space<vmem>>) target_semaphore(%run_scoped3A_37 : memref<!tpu.dma_semaphore, #tpu.memory_space<semaphore_mem>>)
      %dma_wait3A = arith.constant 0 : i32
      %dma_wait3A_46 = arith.constant 0 : i32
      %dma_wait3A_47 = tpu.memref_slice %arg3[%run_scoped3A, %add3A, %dma_wait3A, %dma_wait3A_46] : memref<2x32x125x80xi32, #tpu.memory_space<hbm>> -> memref<1x1x125x80xi32, #tpu.memory_space<hbm>>
      %dma_wait3A_48 = tpu.memref_squeeze %dma_wait3A_47 : memref<1x1x125x80xi32, #tpu.memory_space<hbm>> -> memref<125x80xi32, #tpu.memory_space<hbm>>
      %dma_wait3A_49 = arith.constant 0 : i32
      %dma_wait3A_50 = arith.constant 0 : i32
      %dma_wait3A_51 = tpu.memref_slice %arg3[%run_scoped3A, %add3A, %dma_wait3A_49, %dma_wait3A_50] : memref<2x32x125x80xi32, #tpu.memory_space<hbm>> -> memref<1x1x125x80xi32, #tpu.memory_space<hbm>>
      %dma_wait3A_52 = tpu.memref_squeeze %dma_wait3A_51 : memref<1x1x125x80xi32, #tpu.memory_space<hbm>> -> memref<125x80xi32, #tpu.memory_space<hbm>>
      tpu.wait_dma2 semaphore(%run_scoped3A_37 : memref<!tpu.dma_semaphore, #tpu.memory_space<semaphore_mem>>) src(%dma_wait3A_52 : memref<125x80xi32, #tpu.memory_space<hbm>>) dst(%arg6 : memref<125x80xi32, #tpu.memory_space<vmem>>)
      tpu.yield
    }) : () -> ()
    %run_scoped3A_3 = arith.constant 1 : i32
    "tpu.region"() ({
      %run_scoped3A_37 = tpu.sem_alloc : memref<!tpu.dma_semaphore, #tpu.memory_space<semaphore_mem>>
      %dma_start3A_38 = arith.constant 0 : i32
      %dma_start3A_39 = arith.constant 0 : i32
      %dma_start3A_40 = tpu.memref_slice %arg3[%run_scoped3A_3, %add3A, %dma_start3A_38, %dma_start3A_39] : memref<2x32x125x80xi32, #tpu.memory_space<hbm>> -> memref<1x1x125x80xi32, #tpu.memory_space<hbm>>
      %dma_start3A_41 = tpu.memref_squeeze %dma_start3A_40 : memref<1x1x125x80xi32, #tpu.memory_space<hbm>> -> memref<125x80xi32, #tpu.memory_space<hbm>>
      %dma_start3A_42 = arith.constant 0 : i32
      %dma_start3A_43 = arith.constant 0 : i32
      %dma_start3A_44 = tpu.memref_slice %arg3[%run_scoped3A_3, %add3A, %dma_start3A_42, %dma_start3A_43] : memref<2x32x125x80xi32, #tpu.memory_space<hbm>> -> memref<1x1x125x80xi32, #tpu.memory_space<hbm>>
      %dma_start3A_45 = tpu.memref_squeeze %dma_start3A_44 : memref<1x1x125x80xi32, #tpu.memory_space<hbm>> -> memref<125x80xi32, #tpu.memory_space<hbm>>
      tpu.enqueue_dma source(%dma_start3A_45 : memref<125x80xi32, #tpu.memory_space<hbm>>) target(%arg7 : memref<125x80xi32, #tpu.memory_space<vmem>>) target_semaphore(%run_scoped3A_37 : memref<!tpu.dma_semaphore, #tpu.memory_space<semaphore_mem>>)
      %dma_wait3A = arith.constant 0 : i32
      %dma_wait3A_46 = arith.constant 0 : i32
      %dma_wait3A_47 = tpu.memref_slice %arg3[%run_scoped3A_3, %add3A, %dma_wait3A, %dma_wait3A_46] : memref<2x32x125x80xi32, #tpu.memory_space<hbm>> -> memref<1x1x125x80xi32, #tpu.memory_space<hbm>>
      %dma_wait3A_48 = tpu.memref_squeeze %dma_wait3A_47 : memref<1x1x125x80xi32, #tpu.memory_space<hbm>> -> memref<125x80xi32, #tpu.memory_space<hbm>>
      %dma_wait3A_49 = arith.constant 0 : i32
      %dma_wait3A_50 = arith.constant 0 : i32
      %dma_wait3A_51 = tpu.memref_slice %arg3[%run_scoped3A_3, %add3A, %dma_wait3A_49, %dma_wait3A_50] : memref<2x32x125x80xi32, #tpu.memory_space<hbm>> -> memref<1x1x125x80xi32, #tpu.memory_space<hbm>>
      %dma_wait3A_52 = tpu.memref_squeeze %dma_wait3A_51 : memref<1x1x125x80xi32, #tpu.memory_space<hbm>> -> memref<125x80xi32, #tpu.memory_space<hbm>>
      tpu.wait_dma2 semaphore(%run_scoped3A_37 : memref<!tpu.dma_semaphore, #tpu.memory_space<semaphore_mem>>) src(%dma_wait3A_52 : memref<125x80xi32, #tpu.memory_space<hbm>>) dst(%arg7 : memref<125x80xi32, #tpu.memory_space<vmem>>)
      tpu.yield
    }) : () -> ()
    %barrier3A = arith.constant 0 : index
    tpu.barrier barrier_id(%barrier3A)
    %dma_start3A = arith.constant 0 : i32
    %dma_start3A_4 = arith.constant 0 : i32
    %dma_start3A_5 = tpu.memref_slice %arg6[%dma_start3A, %dma_start3A_4] : memref<125x80xi32, #tpu.memory_space<vmem>> -> memref<1x80xi32, #tpu.memory_space<vmem>>
    %dma_start3A_6 = tpu.memref_squeeze %dma_start3A_5 : memref<1x80xi32, #tpu.memory_space<vmem>> -> memref<80xi32, #tpu.memory_space<vmem>>
    %dma_start3A_7 = arith.constant 0 : i32
    %dma_start3A_8 = arith.constant 0 : i32
    %dma_start3A_9 = tpu.memref_slice %arg2[%dma_start3A_7, %dma_start3A_8] : memref<10000x64xf32, #tpu.memory_space<hbm>> -> memref<10000x64xf32, #tpu.memory_space<hbm>>
    tpu.enqueue_indirect_dma source(%dma_start3A_9 : memref<10000x64xf32, #tpu.memory_space<hbm>>) target(%arg8 : memref<80x64xf32, #tpu.memory_space<vmem>>) offsets(%dma_start3A_6 : memref<80xi32, #tpu.memory_space<vmem>>) semaphore(%arg14 : memref<!tpu.dma_semaphore, #tpu.memory_space<semaphore_mem>>)
    %dma_start3A_10 = arith.constant 1 : i32
    %dma_start3A_11 = arith.constant 0 : i32
    %dma_start3A_12 = tpu.memref_slice %arg6[%dma_start3A_10, %dma_start3A_11] : memref<125x80xi32, #tpu.memory_space<vmem>> -> memref<1x80xi32, #tpu.memory_space<vmem>>
    %dma_start3A_13 = tpu.memref_squeeze %dma_start3A_12 : memref<1x80xi32, #tpu.memory_space<vmem>> -> memref<80xi32, #tpu.memory_space<vmem>>
    %dma_start3A_14 = arith.constant 0 : i32
    %dma_start3A_15 = arith.constant 0 : i32
    %dma_start3A_16 = tpu.memref_slice %arg2[%dma_start3A_14, %dma_start3A_15] : memref<10000x64xf32, #tpu.memory_space<hbm>> -> memref<10000x64xf32, #tpu.memory_space<hbm>>
    tpu.enqueue_indirect_dma source(%dma_start3A_16 : memref<10000x64xf32, #tpu.memory_space<hbm>>) target(%arg9 : memref<80x64xf32, #tpu.memory_space<vmem>>) offsets(%dma_start3A_13 : memref<80xi32, #tpu.memory_space<vmem>>) semaphore(%arg15 : memref<!tpu.dma_semaphore, #tpu.memory_space<semaphore_mem>>)
    %dma_start3A_17 = arith.constant 2 : i32
    %dma_start3A_18 = arith.constant 0 : i32
    %dma_start3A_19 = tpu.memref_slice %arg6[%dma_start3A_17, %dma_start3A_18] : memref<125x80xi32, #tpu.memory_space<vmem>> -> memref<1x80xi32, #tpu.memory_space<vmem>>
    %dma_start3A_20 = tpu.memref_squeeze %dma_start3A_19 : memref<1x80xi32, #tpu.memory_space<vmem>> -> memref<80xi32, #tpu.memory_space<vmem>>
    %dma_start3A_21 = arith.constant 0 : i32
    %dma_start3A_22 = arith.constant 0 : i32
    %dma_start3A_23 = tpu.memref_slice %arg2[%dma_start3A_21, %dma_start3A_22] : memref<10000x64xf32, #tpu.memory_space<hbm>> -> memref<10000x64xf32, #tpu.memory_space<hbm>>
    tpu.enqueue_indirect_dma source(%dma_start3A_23 : memref<10000x64xf32, #tpu.memory_space<hbm>>) target(%arg10 : memref<80x64xf32, #tpu.memory_space<vmem>>) offsets(%dma_start3A_20 : memref<80xi32, #tpu.memory_space<vmem>>) semaphore(%arg16 : memref<!tpu.dma_semaphore, #tpu.memory_space<semaphore_mem>>)
    %dma_start3A_24 = arith.constant 3 : i32
    %dma_start3A_25 = arith.constant 0 : i32
    %dma_start3A_26 = tpu.memref_slice %arg6[%dma_start3A_24, %dma_start3A_25] : memref<125x80xi32, #tpu.memory_space<vmem>> -> memref<1x80xi32, #tpu.memory_space<vmem>>
    %dma_start3A_27 = tpu.memref_squeeze %dma_start3A_26 : memref<1x80xi32, #tpu.memory_space<vmem>> -> memref<80xi32, #tpu.memory_space<vmem>>
    %dma_start3A_28 = arith.constant 0 : i32
    %dma_start3A_29 = arith.constant 0 : i32
    %dma_start3A_30 = tpu.memref_slice %arg2[%dma_start3A_28, %dma_start3A_29] : memref<10000x64xf32, #tpu.memory_space<hbm>> -> memref<10000x64xf32, #tpu.memory_space<hbm>>
    tpu.enqueue_indirect_dma source(%dma_start3A_30 : memref<10000x64xf32, #tpu.memory_space<hbm>>) target(%arg11 : memref<80x64xf32, #tpu.memory_space<vmem>>) offsets(%dma_start3A_27 : memref<80xi32, #tpu.memory_space<vmem>>) semaphore(%arg17 : memref<!tpu.dma_semaphore, #tpu.memory_space<semaphore_mem>>)
    %scan3A = arith.constant 0 : i32
    %scan3A_31 = arith.constant 0 : i32
    %scan3A_32 = arith.constant 25 : i32
    %scan3A_33 = arith.addi %scan3A_31, %scan3A_32 : i32
    %scan3A_34 = arith.constant 1 : i32
    scf.for %scan3A_37 = %scan3A_31 to %scan3A_33 step %scan3A_34  : i32 {
      %mul3A_38 = arith.constant 5 : i32
      %mul3A_39 = arith.muli %scan3A_37, %mul3A_38 : i32
      %add3A_40 = arith.constant 0 : i32
      %add3A_41 = arith.addi %mul3A_39, %add3A_40 : i32
      %dma_wait3A = arith.constant 0 : i32
      %dma_wait3A_42 = tpu.memref_slice %arg6[%add3A_41, %dma_wait3A] : memref<125x80xi32, #tpu.memory_space<vmem>> -> memref<1x80xi32, #tpu.memory_space<vmem>>
      %dma_wait3A_43 = tpu.memref_squeeze %dma_wait3A_42 : memref<1x80xi32, #tpu.memory_space<vmem>> -> memref<80xi32, #tpu.memory_space<vmem>>
      %dma_wait3A_44 = arith.constant 0 : i32
      %dma_wait3A_45 = arith.constant 0 : i32
      %dma_wait3A_46 = tpu.memref_slice %arg2[%dma_wait3A_44, %dma_wait3A_45] : memref<10000x64xf32, #tpu.memory_space<hbm>> -> memref<10000x64xf32, #tpu.memory_space<hbm>>
      tpu.wait_indirect_dma semaphore(%arg14 : memref<!tpu.dma_semaphore, #tpu.memory_space<semaphore_mem>>) src(%dma_wait3A_46 : memref<10000x64xf32, #tpu.memory_space<hbm>>) dst(%arg8 : memref<80x64xf32, #tpu.memory_space<vmem>>)
      "tpu.region"() ({
        %run_scoped3A_128 = tpu.sem_alloc : memref<!tpu.dma_semaphore, #tpu.memory_space<semaphore_mem>>
        %dma_start3A_129 = arith.constant 0 : i32
        %dma_start3A_130 = tpu.memref_slice %arg7[%add3A_41, %dma_start3A_129] : memref<125x80xi32, #tpu.memory_space<vmem>> -> memref<1x80xi32, #tpu.memory_space<vmem>>
        %dma_start3A_131 = tpu.memref_squeeze %dma_start3A_130 : memref<1x80xi32, #tpu.memory_space<vmem>> -> memref<80xi32, #tpu.memory_space<vmem>>
        %dma_start3A_132 = arith.constant 0 : i32
        %dma_start3A_133 = arith.constant 0 : i32
        %dma_start3A_134 = tpu.memref_slice %arg13[%dma_start3A_132, %dma_start3A_133] : memref<10240x64xf32, #tpu.memory_space<vmem_shared>> -> memref<10240x64xf32, #tpu.memory_space<vmem_shared>>
        tpu.enqueue_indirect_dma source(%arg8 : memref<80x64xf32, #tpu.memory_space<vmem>>) target(%dma_start3A_134 : memref<10240x64xf32, #tpu.memory_space<vmem_shared>>) offsets(%dma_start3A_131 : memref<80xi32, #tpu.memory_space<vmem>>) semaphore(%run_scoped3A_128 : memref<!tpu.dma_semaphore, #tpu.memory_space<semaphore_mem>>) {add = true}
        %dma_wait3A_135 = arith.constant 0 : i32
        %dma_wait3A_136 = tpu.memref_slice %arg7[%add3A_41, %dma_wait3A_135] : memref<125x80xi32, #tpu.memory_space<vmem>> -> memref<1x80xi32, #tpu.memory_space<vmem>>
        %dma_wait3A_137 = tpu.memref_squeeze %dma_wait3A_136 : memref<1x80xi32, #tpu.memory_space<vmem>> -> memref<80xi32, #tpu.memory_space<vmem>>
        %dma_wait3A_138 = arith.constant 0 : i32
        %dma_wait3A_139 = arith.constant 0 : i32
        %dma_wait3A_140 = tpu.memref_slice %arg13[%dma_wait3A_138, %dma_wait3A_139] : memref<10240x64xf32, #tpu.memory_space<vmem_shared>> -> memref<10240x64xf32, #tpu.memory_space<vmem_shared>>
        tpu.wait_indirect_dma semaphore(%run_scoped3A_128 : memref<!tpu.dma_semaphore, #tpu.memory_space<semaphore_mem>>) src(%arg8 : memref<80x64xf32, #tpu.memory_space<vmem>>) dst(%dma_wait3A_140 : memref<10240x64xf32, #tpu.memory_space<vmem_shared>>)
        tpu.yield
      }) : () -> ()
      %add3A_47 = arith.constant 5 : i32
      %add3A_48 = arith.addi %add3A_41, %add3A_47 : i32
      %sub3A = arith.constant 1 : i32
      %sub3A_49 = arith.subi %add3A_48, %sub3A : i32
      %lt3A = arith.constant 125 : i32
      %lt3A_50 = arith.cmpi slt, %sub3A_49, %lt3A : i32
      %convert_element_type3A = arith.extui %lt3A_50 : i1 to i32
      %cond3A = arith.constant 0 : i32
      %cond3A_51 = arith.cmpi ne, %convert_element_type3A, %cond3A : i32
      scf.if %cond3A_51 {
        %dma_start3A_128 = arith.constant 0 : i32
        %dma_start3A_129 = tpu.memref_slice %arg6[%sub3A_49, %dma_start3A_128] : memref<125x80xi32, #tpu.memory_space<vmem>> -> memref<1x80xi32, #tpu.memory_space<vmem>>
        %dma_start3A_130 = tpu.memref_squeeze %dma_start3A_129 : memref<1x80xi32, #tpu.memory_space<vmem>> -> memref<80xi32, #tpu.memory_space<vmem>>
        %dma_start3A_131 = arith.constant 0 : i32
        %dma_start3A_132 = arith.constant 0 : i32
        %dma_start3A_133 = tpu.memref_slice %arg2[%dma_start3A_131, %dma_start3A_132] : memref<10000x64xf32, #tpu.memory_space<hbm>> -> memref<10000x64xf32, #tpu.memory_space<hbm>>
        tpu.enqueue_indirect_dma source(%dma_start3A_133 : memref<10000x64xf32, #tpu.memory_space<hbm>>) target(%arg12 : memref<80x64xf32, #tpu.memory_space<vmem>>) offsets(%dma_start3A_130 : memref<80xi32, #tpu.memory_space<vmem>>) semaphore(%arg18 : memref<!tpu.dma_semaphore, #tpu.memory_space<semaphore_mem>>)
      } else {
      }
      %mul3A_52 = arith.constant 5 : i32
      %mul3A_53 = arith.muli %scan3A_37, %mul3A_52 : i32
      %add3A_54 = arith.constant 1 : i32
      %add3A_55 = arith.addi %mul3A_53, %add3A_54 : i32
      %dma_wait3A_56 = arith.constant 0 : i32
      %dma_wait3A_57 = tpu.memref_slice %arg6[%add3A_55, %dma_wait3A_56] : memref<125x80xi32, #tpu.memory_space<vmem>> -> memref<1x80xi32, #tpu.memory_space<vmem>>
      %dma_wait3A_58 = tpu.memref_squeeze %dma_wait3A_57 : memref<1x80xi32, #tpu.memory_space<vmem>> -> memref<80xi32, #tpu.memory_space<vmem>>
      %dma_wait3A_59 = arith.constant 0 : i32
      %dma_wait3A_60 = arith.constant 0 : i32
      %dma_wait3A_61 = tpu.memref_slice %arg2[%dma_wait3A_59, %dma_wait3A_60] : memref<10000x64xf32, #tpu.memory_space<hbm>> -> memref<10000x64xf32, #tpu.memory_space<hbm>>
      tpu.wait_indirect_dma semaphore(%arg15 : memref<!tpu.dma_semaphore, #tpu.memory_space<semaphore_mem>>) src(%dma_wait3A_61 : memref<10000x64xf32, #tpu.memory_space<hbm>>) dst(%arg9 : memref<80x64xf32, #tpu.memory_space<vmem>>)
      "tpu.region"() ({
        %run_scoped3A_128 = tpu.sem_alloc : memref<!tpu.dma_semaphore, #tpu.memory_space<semaphore_mem>>
        %dma_start3A_129 = arith.constant 0 : i32
        %dma_start3A_130 = tpu.memref_slice %arg7[%add3A_55, %dma_start3A_129] : memref<125x80xi32, #tpu.memory_space<vmem>> -> memref<1x80xi32, #tpu.memory_space<vmem>>
        %dma_start3A_131 = tpu.memref_squeeze %dma_start3A_130 : memref<1x80xi32, #tpu.memory_space<vmem>> -> memref<80xi32, #tpu.memory_space<vmem>>
        %dma_start3A_132 = arith.constant 0 : i32
        %dma_start3A_133 = arith.constant 0 : i32
        %dma_start3A_134 = tpu.memref_slice %arg13[%dma_start3A_132, %dma_start3A_133] : memref<10240x64xf32, #tpu.memory_space<vmem_shared>> -> memref<10240x64xf32, #tpu.memory_space<vmem_shared>>
        tpu.enqueue_indirect_dma source(%arg9 : memref<80x64xf32, #tpu.memory_space<vmem>>) target(%dma_start3A_134 : memref<10240x64xf32, #tpu.memory_space<vmem_shared>>) offsets(%dma_start3A_131 : memref<80xi32, #tpu.memory_space<vmem>>) semaphore(%run_scoped3A_128 : memref<!tpu.dma_semaphore, #tpu.memory_space<semaphore_mem>>) {add = true}
        %dma_wait3A_135 = arith.constant 0 : i32
        %dma_wait3A_136 = tpu.memref_slice %arg7[%add3A_55, %dma_wait3A_135] : memref<125x80xi32, #tpu.memory_space<vmem>> -> memref<1x80xi32, #tpu.memory_space<vmem>>
        %dma_wait3A_137 = tpu.memref_squeeze %dma_wait3A_136 : memref<1x80xi32, #tpu.memory_space<vmem>> -> memref<80xi32, #tpu.memory_space<vmem>>
        %dma_wait3A_138 = arith.constant 0 : i32
        %dma_wait3A_139 = arith.constant 0 : i32
        %dma_wait3A_140 = tpu.memref_slice %arg13[%dma_wait3A_138, %dma_wait3A_139] : memref<10240x64xf32, #tpu.memory_space<vmem_shared>> -> memref<10240x64xf32, #tpu.memory_space<vmem_shared>>
        tpu.wait_indirect_dma semaphore(%run_scoped3A_128 : memref<!tpu.dma_semaphore, #tpu.memory_space<semaphore_mem>>) src(%arg9 : memref<80x64xf32, #tpu.memory_space<vmem>>) dst(%dma_wait3A_140 : memref<10240x64xf32, #tpu.memory_space<vmem_shared>>)
        tpu.yield
      }) : () -> ()
      %add3A_62 = arith.constant 5 : i32
      %add3A_63 = arith.addi %add3A_55, %add3A_62 : i32
      %sub3A_64 = arith.constant 1 : i32
      %sub3A_65 = arith.subi %add3A_63, %sub3A_64 : i32
      %lt3A_66 = arith.constant 125 : i32
      %lt3A_67 = arith.cmpi slt, %sub3A_65, %lt3A_66 : i32
      %convert_element_type3A_68 = arith.extui %lt3A_67 : i1 to i32
      %cond3A_69 = arith.constant 0 : i32
      %cond3A_70 = arith.cmpi ne, %convert_element_type3A_68, %cond3A_69 : i32
      scf.if %cond3A_70 {
        %dma_start3A_128 = arith.constant 0 : i32
        %dma_start3A_129 = tpu.memref_slice %arg6[%sub3A_65, %dma_start3A_128] : memref<125x80xi32, #tpu.memory_space<vmem>> -> memref<1x80xi32, #tpu.memory_space<vmem>>
        %dma_start3A_130 = tpu.memref_squeeze %dma_start3A_129 : memref<1x80xi32, #tpu.memory_space<vmem>> -> memref<80xi32, #tpu.memory_space<vmem>>
        %dma_start3A_131 = arith.constant 0 : i32
        %dma_start3A_132 = arith.constant 0 : i32
        %dma_start3A_133 = tpu.memref_slice %arg2[%dma_start3A_131, %dma_start3A_132] : memref<10000x64xf32, #tpu.memory_space<hbm>> -> memref<10000x64xf32, #tpu.memory_space<hbm>>
        tpu.enqueue_indirect_dma source(%dma_start3A_133 : memref<10000x64xf32, #tpu.memory_space<hbm>>) target(%arg8 : memref<80x64xf32, #tpu.memory_space<vmem>>) offsets(%dma_start3A_130 : memref<80xi32, #tpu.memory_space<vmem>>) semaphore(%arg14 : memref<!tpu.dma_semaphore, #tpu.memory_space<semaphore_mem>>)
      } else {
      }
      %mul3A_71 = arith.constant 5 : i32
      %mul3A_72 = arith.muli %scan3A_37, %mul3A_71 : i32
      %add3A_73 = arith.constant 2 : i32
      %add3A_74 = arith.addi %mul3A_72, %add3A_73 : i32
      %dma_wait3A_75 = arith.constant 0 : i32
      %dma_wait3A_76 = tpu.memref_slice %arg6[%add3A_74, %dma_wait3A_75] : memref<125x80xi32, #tpu.memory_space<vmem>> -> memref<1x80xi32, #tpu.memory_space<vmem>>
      %dma_wait3A_77 = tpu.memref_squeeze %dma_wait3A_76 : memref<1x80xi32, #tpu.memory_space<vmem>> -> memref<80xi32, #tpu.memory_space<vmem>>
      %dma_wait3A_78 = arith.constant 0 : i32
      %dma_wait3A_79 = arith.constant 0 : i32
      %dma_wait3A_80 = tpu.memref_slice %arg2[%dma_wait3A_78, %dma_wait3A_79] : memref<10000x64xf32, #tpu.memory_space<hbm>> -> memref<10000x64xf32, #tpu.memory_space<hbm>>
      tpu.wait_indirect_dma semaphore(%arg16 : memref<!tpu.dma_semaphore, #tpu.memory_space<semaphore_mem>>) src(%dma_wait3A_80 : memref<10000x64xf32, #tpu.memory_space<hbm>>) dst(%arg10 : memref<80x64xf32, #tpu.memory_space<vmem>>)
      "tpu.region"() ({
        %run_scoped3A_128 = tpu.sem_alloc : memref<!tpu.dma_semaphore, #tpu.memory_space<semaphore_mem>>
        %dma_start3A_129 = arith.constant 0 : i32
        %dma_start3A_130 = tpu.memref_slice %arg7[%add3A_74, %dma_start3A_129] : memref<125x80xi32, #tpu.memory_space<vmem>> -> memref<1x80xi32, #tpu.memory_space<vmem>>
        %dma_start3A_131 = tpu.memref_squeeze %dma_start3A_130 : memref<1x80xi32, #tpu.memory_space<vmem>> -> memref<80xi32, #tpu.memory_space<vmem>>
        %dma_start3A_132 = arith.constant 0 : i32
        %dma_start3A_133 = arith.constant 0 : i32
        %dma_start3A_134 = tpu.memref_slice %arg13[%dma_start3A_132, %dma_start3A_133] : memref<10240x64xf32, #tpu.memory_space<vmem_shared>> -> memref<10240x64xf32, #tpu.memory_space<vmem_shared>>
        tpu.enqueue_indirect_dma source(%arg10 : memref<80x64xf32, #tpu.memory_space<vmem>>) target(%dma_start3A_134 : memref<10240x64xf32, #tpu.memory_space<vmem_shared>>) offsets(%dma_start3A_131 : memref<80xi32, #tpu.memory_space<vmem>>) semaphore(%run_scoped3A_128 : memref<!tpu.dma_semaphore, #tpu.memory_space<semaphore_mem>>) {add = true}
        %dma_wait3A_135 = arith.constant 0 : i32
        %dma_wait3A_136 = tpu.memref_slice %arg7[%add3A_74, %dma_wait3A_135] : memref<125x80xi32, #tpu.memory_space<vmem>> -> memref<1x80xi32, #tpu.memory_space<vmem>>
        %dma_wait3A_137 = tpu.memref_squeeze %dma_wait3A_136 : memref<1x80xi32, #tpu.memory_space<vmem>> -> memref<80xi32, #tpu.memory_space<vmem>>
        %dma_wait3A_138 = arith.constant 0 : i32
        %dma_wait3A_139 = arith.constant 0 : i32
        %dma_wait3A_140 = tpu.memref_slice %arg13[%dma_wait3A_138, %dma_wait3A_139] : memref<10240x64xf32, #tpu.memory_space<vmem_shared>> -> memref<10240x64xf32, #tpu.memory_space<vmem_shared>>
        tpu.wait_indirect_dma semaphore(%run_scoped3A_128 : memref<!tpu.dma_semaphore, #tpu.memory_space<semaphore_mem>>) src(%arg10 : memref<80x64xf32, #tpu.memory_space<vmem>>) dst(%dma_wait3A_140 : memref<10240x64xf32, #tpu.memory_space<vmem_shared>>)
        tpu.yield
      }) : () -> ()
      %add3A_81 = arith.constant 5 : i32
      %add3A_82 = arith.addi %add3A_74, %add3A_81 : i32
      %sub3A_83 = arith.constant 1 : i32
      %sub3A_84 = arith.subi %add3A_82, %sub3A_83 : i32
      %lt3A_85 = arith.constant 125 : i32
      %lt3A_86 = arith.cmpi slt, %sub3A_84, %lt3A_85 : i32
      %convert_element_type3A_87 = arith.extui %lt3A_86 : i1 to i32
      %cond3A_88 = arith.constant 0 : i32
      %cond3A_89 = arith.cmpi ne, %convert_element_type3A_87, %cond3A_88 : i32
      scf.if %cond3A_89 {
        %dma_start3A_128 = arith.constant 0 : i32
        %dma_start3A_129 = tpu.memref_slice %arg6[%sub3A_84, %dma_start3A_128] : memref<125x80xi32, #tpu.memory_space<vmem>> -> memref<1x80xi32, #tpu.memory_space<vmem>>
        %dma_start3A_130 = tpu.memref_squeeze %dma_start3A_129 : memref<1x80xi32, #tpu.memory_space<vmem>> -> memref<80xi32, #tpu.memory_space<vmem>>
        %dma_start3A_131 = arith.constant 0 : i32
        %dma_start3A_132 = arith.constant 0 : i32
        %dma_start3A_133 = tpu.memref_slice %arg2[%dma_start3A_131, %dma_start3A_132] : memref<10000x64xf32, #tpu.memory_space<hbm>> -> memref<10000x64xf32, #tpu.memory_space<hbm>>
        tpu.enqueue_indirect_dma source(%dma_start3A_133 : memref<10000x64xf32, #tpu.memory_space<hbm>>) target(%arg9 : memref<80x64xf32, #tpu.memory_space<vmem>>) offsets(%dma_start3A_130 : memref<80xi32, #tpu.memory_space<vmem>>) semaphore(%arg15 : memref<!tpu.dma_semaphore, #tpu.memory_space<semaphore_mem>>)
      } else {
      }
      %mul3A_90 = arith.constant 5 : i32
      %mul3A_91 = arith.muli %scan3A_37, %mul3A_90 : i32
      %add3A_92 = arith.constant 3 : i32
      %add3A_93 = arith.addi %mul3A_91, %add3A_92 : i32
      %dma_wait3A_94 = arith.constant 0 : i32
      %dma_wait3A_95 = tpu.memref_slice %arg6[%add3A_93, %dma_wait3A_94] : memref<125x80xi32, #tpu.memory_space<vmem>> -> memref<1x80xi32, #tpu.memory_space<vmem>>
      %dma_wait3A_96 = tpu.memref_squeeze %dma_wait3A_95 : memref<1x80xi32, #tpu.memory_space<vmem>> -> memref<80xi32, #tpu.memory_space<vmem>>
      %dma_wait3A_97 = arith.constant 0 : i32
      %dma_wait3A_98 = arith.constant 0 : i32
      %dma_wait3A_99 = tpu.memref_slice %arg2[%dma_wait3A_97, %dma_wait3A_98] : memref<10000x64xf32, #tpu.memory_space<hbm>> -> memref<10000x64xf32, #tpu.memory_space<hbm>>
      tpu.wait_indirect_dma semaphore(%arg17 : memref<!tpu.dma_semaphore, #tpu.memory_space<semaphore_mem>>) src(%dma_wait3A_99 : memref<10000x64xf32, #tpu.memory_space<hbm>>) dst(%arg11 : memref<80x64xf32, #tpu.memory_space<vmem>>)
      "tpu.region"() ({
        %run_scoped3A_128 = tpu.sem_alloc : memref<!tpu.dma_semaphore, #tpu.memory_space<semaphore_mem>>
        %dma_start3A_129 = arith.constant 0 : i32
        %dma_start3A_130 = tpu.memref_slice %arg7[%add3A_93, %dma_start3A_129] : memref<125x80xi32, #tpu.memory_space<vmem>> -> memref<1x80xi32, #tpu.memory_space<vmem>>
        %dma_start3A_131 = tpu.memref_squeeze %dma_start3A_130 : memref<1x80xi32, #tpu.memory_space<vmem>> -> memref<80xi32, #tpu.memory_space<vmem>>
        %dma_start3A_132 = arith.constant 0 : i32
        %dma_start3A_133 = arith.constant 0 : i32
        %dma_start3A_134 = tpu.memref_slice %arg13[%dma_start3A_132, %dma_start3A_133] : memref<10240x64xf32, #tpu.memory_space<vmem_shared>> -> memref<10240x64xf32, #tpu.memory_space<vmem_shared>>
        tpu.enqueue_indirect_dma source(%arg11 : memref<80x64xf32, #tpu.memory_space<vmem>>) target(%dma_start3A_134 : memref<10240x64xf32, #tpu.memory_space<vmem_shared>>) offsets(%dma_start3A_131 : memref<80xi32, #tpu.memory_space<vmem>>) semaphore(%run_scoped3A_128 : memref<!tpu.dma_semaphore, #tpu.memory_space<semaphore_mem>>) {add = true}
        %dma_wait3A_135 = arith.constant 0 : i32
        %dma_wait3A_136 = tpu.memref_slice %arg7[%add3A_93, %dma_wait3A_135] : memref<125x80xi32, #tpu.memory_space<vmem>> -> memref<1x80xi32, #tpu.memory_space<vmem>>
        %dma_wait3A_137 = tpu.memref_squeeze %dma_wait3A_136 : memref<1x80xi32, #tpu.memory_space<vmem>> -> memref<80xi32, #tpu.memory_space<vmem>>
        %dma_wait3A_138 = arith.constant 0 : i32
        %dma_wait3A_139 = arith.constant 0 : i32
        %dma_wait3A_140 = tpu.memref_slice %arg13[%dma_wait3A_138, %dma_wait3A_139] : memref<10240x64xf32, #tpu.memory_space<vmem_shared>> -> memref<10240x64xf32, #tpu.memory_space<vmem_shared>>
        tpu.wait_indirect_dma semaphore(%run_scoped3A_128 : memref<!tpu.dma_semaphore, #tpu.memory_space<semaphore_mem>>) src(%arg11 : memref<80x64xf32, #tpu.memory_space<vmem>>) dst(%dma_wait3A_140 : memref<10240x64xf32, #tpu.memory_space<vmem_shared>>)
        tpu.yield
      }) : () -> ()
      %add3A_100 = arith.constant 5 : i32
      %add3A_101 = arith.addi %add3A_93, %add3A_100 : i32
      %sub3A_102 = arith.constant 1 : i32
      %sub3A_103 = arith.subi %add3A_101, %sub3A_102 : i32
      %lt3A_104 = arith.constant 125 : i32
      %lt3A_105 = arith.cmpi slt, %sub3A_103, %lt3A_104 : i32
      %convert_element_type3A_106 = arith.extui %lt3A_105 : i1 to i32
      %cond3A_107 = arith.constant 0 : i32
      %cond3A_108 = arith.cmpi ne, %convert_element_type3A_106, %cond3A_107 : i32
      scf.if %cond3A_108 {
        %dma_start3A_128 = arith.constant 0 : i32
        %dma_start3A_129 = tpu.memref_slice %arg6[%sub3A_103, %dma_start3A_128] : memref<125x80xi32, #tpu.memory_space<vmem>> -> memref<1x80xi32, #tpu.memory_space<vmem>>
        %dma_start3A_130 = tpu.memref_squeeze %dma_start3A_129 : memref<1x80xi32, #tpu.memory_space<vmem>> -> memref<80xi32, #tpu.memory_space<vmem>>
        %dma_start3A_131 = arith.constant 0 : i32
        %dma_start3A_132 = arith.constant 0 : i32
        %dma_start3A_133 = tpu.memref_slice %arg2[%dma_start3A_131, %dma_start3A_132] : memref<10000x64xf32, #tpu.memory_space<hbm>> -> memref<10000x64xf32, #tpu.memory_space<hbm>>
        tpu.enqueue_indirect_dma source(%dma_start3A_133 : memref<10000x64xf32, #tpu.memory_space<hbm>>) target(%arg10 : memref<80x64xf32, #tpu.memory_space<vmem>>) offsets(%dma_start3A_130 : memref<80xi32, #tpu.memory_space<vmem>>) semaphore(%arg16 : memref<!tpu.dma_semaphore, #tpu.memory_space<semaphore_mem>>)
      } else {
      }
      %mul3A_109 = arith.constant 5 : i32
      %mul3A_110 = arith.muli %scan3A_37, %mul3A_109 : i32
      %add3A_111 = arith.constant 4 : i32
      %add3A_112 = arith.addi %mul3A_110, %add3A_111 : i32
      %dma_wait3A_113 = arith.constant 0 : i32
      %dma_wait3A_114 = tpu.memref_slice %arg6[%add3A_112, %dma_wait3A_113] : memref<125x80xi32, #tpu.memory_space<vmem>> -> memref<1x80xi32, #tpu.memory_space<vmem>>
      %dma_wait3A_115 = tpu.memref_squeeze %dma_wait3A_114 : memref<1x80xi32, #tpu.memory_space<vmem>> -> memref<80xi32, #tpu.memory_space<vmem>>
      %dma_wait3A_116 = arith.constant 0 : i32
      %dma_wait3A_117 = arith.constant 0 : i32
      %dma_wait3A_118 = tpu.memref_slice %arg2[%dma_wait3A_116, %dma_wait3A_117] : memref<10000x64xf32, #tpu.memory_space<hbm>> -> memref<10000x64xf32, #tpu.memory_space<hbm>>
      tpu.wait_indirect_dma semaphore(%arg18 : memref<!tpu.dma_semaphore, #tpu.memory_space<semaphore_mem>>) src(%dma_wait3A_118 : memref<10000x64xf32, #tpu.memory_space<hbm>>) dst(%arg12 : memref<80x64xf32, #tpu.memory_space<vmem>>)
      "tpu.region"() ({
        %run_scoped3A_128 = tpu.sem_alloc : memref<!tpu.dma_semaphore, #tpu.memory_space<semaphore_mem>>
        %dma_start3A_129 = arith.constant 0 : i32
        %dma_start3A_130 = tpu.memref_slice %arg7[%add3A_112, %dma_start3A_129] : memref<125x80xi32, #tpu.memory_space<vmem>> -> memref<1x80xi32, #tpu.memory_space<vmem>>
        %dma_start3A_131 = tpu.memref_squeeze %dma_start3A_130 : memref<1x80xi32, #tpu.memory_space<vmem>> -> memref<80xi32, #tpu.memory_space<vmem>>
        %dma_start3A_132 = arith.constant 0 : i32
        %dma_start3A_133 = arith.constant 0 : i32
        %dma_start3A_134 = tpu.memref_slice %arg13[%dma_start3A_132, %dma_start3A_133] : memref<10240x64xf32, #tpu.memory_space<vmem_shared>> -> memref<10240x64xf32, #tpu.memory_space<vmem_shared>>
        tpu.enqueue_indirect_dma source(%arg12 : memref<80x64xf32, #tpu.memory_space<vmem>>) target(%dma_start3A_134 : memref<10240x64xf32, #tpu.memory_space<vmem_shared>>) offsets(%dma_start3A_131 : memref<80xi32, #tpu.memory_space<vmem>>) semaphore(%run_scoped3A_128 : memref<!tpu.dma_semaphore, #tpu.memory_space<semaphore_mem>>) {add = true}
        %dma_wait3A_135 = arith.constant 0 : i32
        %dma_wait3A_136 = tpu.memref_slice %arg7[%add3A_112, %dma_wait3A_135] : memref<125x80xi32, #tpu.memory_space<vmem>> -> memref<1x80xi32, #tpu.memory_space<vmem>>
        %dma_wait3A_137 = tpu.memref_squeeze %dma_wait3A_136 : memref<1x80xi32, #tpu.memory_space<vmem>> -> memref<80xi32, #tpu.memory_space<vmem>>
        %dma_wait3A_138 = arith.constant 0 : i32
        %dma_wait3A_139 = arith.constant 0 : i32
        %dma_wait3A_140 = tpu.memref_slice %arg13[%dma_wait3A_138, %dma_wait3A_139] : memref<10240x64xf32, #tpu.memory_space<vmem_shared>> -> memref<10240x64xf32, #tpu.memory_space<vmem_shared>>
        tpu.wait_indirect_dma semaphore(%run_scoped3A_128 : memref<!tpu.dma_semaphore, #tpu.memory_space<semaphore_mem>>) src(%arg12 : memref<80x64xf32, #tpu.memory_space<vmem>>) dst(%dma_wait3A_140 : memref<10240x64xf32, #tpu.memory_space<vmem_shared>>)
        tpu.yield
      }) : () -> ()
      %add3A_119 = arith.constant 5 : i32
      %add3A_120 = arith.addi %add3A_112, %add3A_119 : i32
      %sub3A_121 = arith.constant 1 : i32
      %sub3A_122 = arith.subi %add3A_120, %sub3A_121 : i32
      %lt3A_123 = arith.constant 125 : i32
      %lt3A_124 = arith.cmpi slt, %sub3A_122, %lt3A_123 : i32
      %convert_element_type3A_125 = arith.extui %lt3A_124 : i1 to i32
      %cond3A_126 = arith.constant 0 : i32
      %cond3A_127 = arith.cmpi ne, %convert_element_type3A_125, %cond3A_126 : i32
      scf.if %cond3A_127 {
        %dma_start3A_128 = arith.constant 0 : i32
        %dma_start3A_129 = tpu.memref_slice %arg6[%sub3A_122, %dma_start3A_128] : memref<125x80xi32, #tpu.memory_space<vmem>> -> memref<1x80xi32, #tpu.memory_space<vmem>>
        %dma_start3A_130 = tpu.memref_squeeze %dma_start3A_129 : memref<1x80xi32, #tpu.memory_space<vmem>> -> memref<80xi32, #tpu.memory_space<vmem>>
        %dma_start3A_131 = arith.constant 0 : i32
        %dma_start3A_132 = arith.constant 0 : i32
        %dma_start3A_133 = tpu.memref_slice %arg2[%dma_start3A_131, %dma_start3A_132] : memref<10000x64xf32, #tpu.memory_space<hbm>> -> memref<10000x64xf32, #tpu.memory_space<hbm>>
        tpu.enqueue_indirect_dma source(%dma_start3A_133 : memref<10000x64xf32, #tpu.memory_space<hbm>>) target(%arg11 : memref<80x64xf32, #tpu.memory_space<vmem>>) offsets(%dma_start3A_130 : memref<80xi32, #tpu.memory_space<vmem>>) semaphore(%arg17 : memref<!tpu.dma_semaphore, #tpu.memory_space<semaphore_mem>>)
      } else {
      }
    }
    %scan3A_35 = arith.constant 25 : i32
    %barrier3A_36 = arith.constant 0 : index
    tpu.barrier barrier_id(%barrier3A_36)
    "tpu.region"() ({
      %run_scoped3A_37 = tpu.sem_alloc : memref<!tpu.dma_semaphore, #tpu.memory_space<semaphore_mem>>
      %dma_start3A_38 = arith.constant 0 : i32
      %dma_start3A_39 = tpu.memref_slice %arg5[%arg0, %multiple_of3A, %dma_start3A_38] : memref<2x10240x64xf32, #tpu.memory_space<hbm>> -> memref<1x640x64xf32, #tpu.memory_space<hbm>>
      %dma_start3A_40 = tpu.memref_squeeze %dma_start3A_39 : memref<1x640x64xf32, #tpu.memory_space<hbm>> -> memref<640x64xf32, #tpu.memory_space<hbm>>
      %dma_start3A_41 = arith.constant 0 : i32
      %dma_start3A_42 = tpu.memref_slice %arg13[%multiple_of3A, %dma_start3A_41] : memref<10240x64xf32, #tpu.memory_space<vmem_shared>> -> memref<640x64xf32, #tpu.memory_space<vmem_shared>>
      tpu.enqueue_dma source(%dma_start3A_42 : memref<640x64xf32, #tpu.memory_space<vmem_shared>>) target(%dma_start3A_40 : memref<640x64xf32, #tpu.memory_space<hbm>>) target_semaphore(%run_scoped3A_37 : memref<!tpu.dma_semaphore, #tpu.memory_space<semaphore_mem>>)
      %dma_wait3A = arith.constant 0 : i32
      %dma_wait3A_43 = tpu.memref_slice %arg5[%arg0, %multiple_of3A, %dma_wait3A] : memref<2x10240x64xf32, #tpu.memory_space<hbm>> -> memref<1x640x64xf32, #tpu.memory_space<hbm>>
      %dma_wait3A_44 = tpu.memref_squeeze %dma_wait3A_43 : memref<1x640x64xf32, #tpu.memory_space<hbm>> -> memref<640x64xf32, #tpu.memory_space<hbm>>
      %dma_wait3A_45 = arith.constant 0 : i32
      %dma_wait3A_46 = tpu.memref_slice %arg13[%multiple_of3A, %dma_wait3A_45] : memref<10240x64xf32, #tpu.memory_space<vmem_shared>> -> memref<640x64xf32, #tpu.memory_space<vmem_shared>>
      tpu.wait_dma2 semaphore(%run_scoped3A_37 : memref<!tpu.dma_semaphore, #tpu.memory_space<semaphore_mem>>) src(%dma_wait3A_46 : memref<640x64xf32, #tpu.memory_space<vmem_shared>>) dst(%dma_wait3A_44 : memref<640x64xf32, #tpu.memory_space<hbm>>)
      tpu.yield
    }) : () -> ()
    return
  }
}

module attributes {stable_mosaic.version = 14 : i64} {
  func.func @body(%arg0: i32, %arg1: memref<1000x128xf32, #tpu.memory_space<vmem>>, %arg2: memref<128x128xf32, #tpu.memory_space<vmem>>, %arg3: memref<1000x128xf32, #tpu.memory_space<vmem>>) attributes {dimension_semantics = [#tpu.dimension_semantics<arbitrary>], iteration_bounds = array<i64: 10>, scalar_prefetch = 0 : i64, scratch_operands = 0 : i64, tpu.core_type = #tpu.core_type<tc>, window_params = [{transform_indices = @transform_0, window_bounds = array<i64: 1000, 128>}, {pipeline_mode = #tpu.pipeline_mode<synchronous>, transform_indices = @transform_1, window_bounds = array<i64: 128, 128>}, {transform_indices = @transform_2, window_bounds = array<i64: 1000, 128>}]} {
    %get3A = arith.constant 0 : index
    %get3A_0 = arith.constant 0 : index
    %get3A_1 = vector.load %arg1[%get3A, %get3A_0] : memref<1000x128xf32, #tpu.memory_space<vmem>>, vector<1000x128xf32>
    %get3A_2 = arith.constant 0 : index
    %get3A_3 = arith.constant 0 : index
    %get3A_4 = vector.load %arg2[%get3A_2, %get3A_3] : memref<128x128xf32, #tpu.memory_space<vmem>>, vector<128x128xf32>
    %dot_general3A = arith.constant dense<0.000000e+00> : vector<1000x128xf32>
    %dot_general3A_5 = tpu.matmul %get3A_1, %get3A_4, %dot_general3A {dimension_numbers = #tpu.dot_dimension_numbers<[1], [0], [0], [1], [0, 0, 1, 1], [], []>, transpose_lhs_hint = false} : vector<1000x128xf32>, vector<128x128xf32>, vector<1000x128xf32> -> vector<1000x128xf32>
    %swap3A = arith.constant 0 : index
    %swap3A_6 = arith.constant 0 : index
    %swap3A_7 = vector.load %arg3[%swap3A, %swap3A_6] : memref<1000x128xf32, #tpu.memory_space<vmem>>, vector<1000x128xf32>
    tpu.vector_store %arg3[%swap3A, %swap3A_6], %dot_general3A_5 {strides = array<i32>} : memref<1000x128xf32, #tpu.memory_space<vmem>>, vector<1000x128xf32>,
    return
  }
  func.func @transform_0(%arg0: i32) -> (i32, i32) {
    %c0_i32 = arith.constant 0 : i32
    %c0_i32_0 = arith.constant 0 : i32
    return %arg0, %c0_i32 : i32, i32
  }
  func.func @transform_1(%arg0: i32) -> (i32, i32) {
    %c0_i32 = arith.constant 0 : i32
    %c0_i32_0 = arith.constant 0 : i32
    %c0_i32_1 = arith.constant 0 : i32
    return %c0_i32, %c0_i32_0 : i32, i32
  }
  func.func @transform_2(%arg0: i32) -> (i32, i32) {
    %c0_i32 = arith.constant 0 : i32
    %c0_i32_0 = arith.constant 0 : i32
    return %arg0, %c0_i32 : i32, i32
  }
}

module attributes {stable_mosaic.version = 14 : i64} {
  func.func @body(%arg0: i32, %arg1: memref<1000x128xf32, #tpu.memory_space<vmem>>, %arg2: memref<1x1000x16xf32, #tpu.memory_space<vmem>>, %arg3: memref<1x1000x16xf32, #tpu.memory_space<vmem>>, %arg4: memref<1000x128xf32, #tpu.memory_space<vmem>>, %arg5: memref<1000x1xf32, #tpu.memory_space<vmem>>) attributes {dimension_semantics = [#tpu.dimension_semantics<arbitrary>], iteration_bounds = array<i64: 10>, scalar_prefetch = 0 : i64, scratch_operands = 0 : i64, tpu.core_type = #tpu.core_type<tc>, window_params = [{transform_indices = @transform_0, window_bounds = array<i64: 1000, 128>}, {transform_indices = @transform_1, window_bounds = array<i64: 1, 1000, 16>}, {transform_indices = @transform_2, window_bounds = array<i64: 1, 1000, 16>}, {transform_indices = @transform_3, window_bounds = array<i64: 1000, 128>}, {transform_indices = @transform_4, window_bounds = array<i64: 1000, 1>}]} {
    %get3A = arith.constant 0 : index
    %get3A_0 = arith.constant 0 : index
    %get3A_1 = arith.constant 0 : index
    %get3A_2 = vector.load %arg2[%get3A, %get3A_0, %get3A_1] : memref<1x1000x16xf32, #tpu.memory_space<vmem>>, vector<1x1000x16xf32>
    %get3A_3 = vector.shape_cast %get3A_2 : vector<1x1000x16xf32> to vector<1000x16xf32>
    %slice3A = vector.extract_strided_slice %get3A_3 {offsets = [0, 0], sizes = [1000, 1], strides = [1, 1]} : vector<1000x16xf32> to vector<1000x1xf32>
    %get3A_4 = arith.constant 0 : index
    %get3A_5 = arith.constant 0 : index
    %get3A_6 = arith.constant 0 : index
    %get3A_7 = vector.load %arg3[%get3A_4, %get3A_5, %get3A_6] : memref<1x1000x16xf32, #tpu.memory_space<vmem>>, vector<1x1000x16xf32>
    %get3A_8 = vector.shape_cast %get3A_7 : vector<1x1000x16xf32> to vector<1000x16xf32>
    %slice3A_9 = vector.extract_strided_slice %get3A_8 {offsets = [0, 0], sizes = [1000, 1], strides = [1, 1]} : vector<1000x16xf32> to vector<1000x1xf32>
    %add3A = arith.addf %slice3A, %slice3A_9 : vector<1000x1xf32>
    %add3A_10 = arith.constant 1.000000e+00 : f32
    %add3A_11 = vector.broadcast %add3A_10 : f32 to vector<1000x1xf32>
    %add3A_12 = arith.addf %add3A, %add3A_11 : vector<1000x1xf32>
    %rsqrt3A = math.rsqrt %add3A_12 : vector<1000x1xf32>
    %get3A_13 = arith.constant 0 : index
    %get3A_14 = arith.constant 0 : index
    %get3A_15 = vector.load %arg1[%get3A_13, %get3A_14] : memref<1000x128xf32, #tpu.memory_space<vmem>>, vector<1000x128xf32>
    %mul3A = vector.broadcast %rsqrt3A : vector<1000x1xf32> to vector<1000x128xf32>
    %mul3A_16 = arith.mulf %get3A_15, %mul3A : vector<1000x128xf32>
    %swap3A = arith.constant 0 : index
    %swap3A_17 = arith.constant 0 : index
    %swap3A_18 = vector.load %arg4[%swap3A, %swap3A_17] : memref<1000x128xf32, #tpu.memory_space<vmem>>, vector<1000x128xf32>
    tpu.vector_store %arg4[%swap3A, %swap3A_17], %mul3A_16 {strides = array<i32>} : memref<1000x128xf32, #tpu.memory_space<vmem>>, vector<1000x128xf32>,
    %swap3A_19 = arith.constant 0 : index
    %swap3A_20 = arith.constant 0 : index
    %swap3A_21 = vector.load %arg5[%swap3A_19, %swap3A_20] : memref<1000x1xf32, #tpu.memory_space<vmem>>, vector<1000x1xf32>
    tpu.vector_store %arg5[%swap3A_19, %swap3A_20], %rsqrt3A {strides = array<i32>} : memref<1000x1xf32, #tpu.memory_space<vmem>>, vector<1000x1xf32>,
    return
  }
  func.func @transform_0(%arg0: i32) -> (i32, i32) {
    %c0_i32 = arith.constant 0 : i32
    %c0_i32_0 = arith.constant 0 : i32
    return %arg0, %c0_i32 : i32, i32
  }
  func.func @transform_1(%arg0: i32) -> (i32, i32, i32) {
    %c0_i32 = arith.constant 0 : i32
    %c0_i32_0 = arith.constant 0 : i32
    %c0_i32_1 = arith.constant 0 : i32
    return %c0_i32, %arg0, %c0_i32_0 : i32, i32, i32
  }
  func.func @transform_2(%arg0: i32) -> (i32, i32, i32) {
    %c1_i32 = arith.constant 1 : i32
    %c0_i32 = arith.constant 0 : i32
    %c0_i32_0 = arith.constant 0 : i32
    return %c1_i32, %arg0, %c0_i32 : i32, i32, i32
  }
  func.func @transform_3(%arg0: i32) -> (i32, i32) {
    %c0_i32 = arith.constant 0 : i32
    %c0_i32_0 = arith.constant 0 : i32
    return %arg0, %c0_i32 : i32, i32
  }
  func.func @transform_4(%arg0: i32) -> (i32, i32) {
    %c0_i32 = arith.constant 0 : i32
    %c0_i32_0 = arith.constant 0 : i32
    return %arg0, %c0_i32 : i32, i32
  }
}

module attributes {stable_mosaic.version = 14 : i64} {
  func.func @body(%arg0: i32, %arg1: memref<1x1000x128xf32, #tpu.memory_space<vmem>>, %arg2: memref<1x1000x128xf32, #tpu.memory_space<vmem>>, %arg3: memref<1000x128xf32, #tpu.memory_space<vmem>>, %arg4: memref<1000x1xf32, #tpu.memory_space<vmem>>, %arg5: memref<1x128xf32, #tpu.memory_space<vmem>>, %arg6: memref<128x64xf32, #tpu.memory_space<vmem>>, %arg7: memref<1000x64xf32, #tpu.memory_space<vmem>>) attributes {dimension_semantics = [#tpu.dimension_semantics<arbitrary>], iteration_bounds = array<i64: 10>, scalar_prefetch = 0 : i64, scratch_operands = 0 : i64, tpu.core_type = #tpu.core_type<tc>, window_params = [{transform_indices = @transform_0, window_bounds = array<i64: 1, 1000, 128>}, {transform_indices = @transform_1, window_bounds = array<i64: 1, 1000, 128>}, {transform_indices = @transform_2, window_bounds = array<i64: 1000, 128>}, {transform_indices = @transform_3, window_bounds = array<i64: 1000, 1>}, {pipeline_mode = #tpu.pipeline_mode<synchronous>, transform_indices = @transform_4, window_bounds = array<i64: 1, 128>}, {pipeline_mode = #tpu.pipeline_mode<synchronous>, transform_indices = @transform_5, window_bounds = array<i64: 128, 64>}, {transform_indices = @transform_6, window_bounds = array<i64: 1000, 64>}]} {
    %get3A = arith.constant 0 : index
    %get3A_0 = arith.constant 0 : index
    %get3A_1 = vector.load %arg4[%get3A, %get3A_0] : memref<1000x1xf32, #tpu.memory_space<vmem>>, vector<1000x1xf32>
    %get3A_2 = arith.constant 0 : index
    %get3A_3 = arith.constant 0 : index
    %get3A_4 = arith.constant 0 : index
    %get3A_5 = vector.load %arg1[%get3A_2, %get3A_3, %get3A_4] : memref<1x1000x128xf32, #tpu.memory_space<vmem>>, vector<1x1000x128xf32>
    %get3A_6 = vector.shape_cast %get3A_5 : vector<1x1000x128xf32> to vector<1000x128xf32>
    %get3A_7 = arith.constant 0 : index
    %get3A_8 = arith.constant 0 : index
    %get3A_9 = arith.constant 0 : index
    %get3A_10 = vector.load %arg2[%get3A_7, %get3A_8, %get3A_9] : memref<1x1000x128xf32, #tpu.memory_space<vmem>>, vector<1x1000x128xf32>
    %get3A_11 = vector.shape_cast %get3A_10 : vector<1x1000x128xf32> to vector<1000x128xf32>
    %add3A = arith.addf %get3A_6, %get3A_11 : vector<1000x128xf32>
    %get3A_12 = arith.constant 0 : index
    %get3A_13 = arith.constant 0 : index
    %get3A_14 = vector.load %arg3[%get3A_12, %get3A_13] : memref<1000x128xf32, #tpu.memory_space<vmem>>, vector<1000x128xf32>
    %add3A_15 = arith.addf %add3A, %get3A_14 : vector<1000x128xf32>
    %mul3A = vector.broadcast %get3A_1 : vector<1000x1xf32> to vector<1000x128xf32>
    %mul3A_16 = arith.mulf %mul3A, %add3A_15 : vector<1000x128xf32>
    %get3A_17 = arith.constant 0 : index
    %get3A_18 = arith.constant 0 : index
    %get3A_19 = vector.load %arg5[%get3A_17, %get3A_18] : memref<1x128xf32, #tpu.memory_space<vmem>>, vector<1x128xf32>
    %add3A_20 = vector.broadcast %get3A_19 : vector<1x128xf32> to vector<1000x128xf32>
    %add3A_21 = arith.addf %mul3A_16, %add3A_20 : vector<1000x128xf32>
    %max3A = arith.constant 0.000000e+00 : f32
    %max3A_22 = vector.broadcast %max3A : f32 to vector<1000x128xf32>
    %max3A_23 = arith.maximumf %add3A_21, %max3A_22 : vector<1000x128xf32>
    %get3A_24 = arith.constant 0 : index
    %get3A_25 = arith.constant 0 : index
    %get3A_26 = vector.load %arg6[%get3A_24, %get3A_25] : memref<128x64xf32, #tpu.memory_space<vmem>>, vector<128x64xf32>
    %dot_general3A = arith.constant dense<0.000000e+00> : vector<1000x64xf32>
    %dot_general3A_27 = tpu.matmul %max3A_23, %get3A_26, %dot_general3A {dimension_numbers = #tpu.dot_dimension_numbers<[1], [0], [0], [1], [0, 0, 1, 1], [], []>, transpose_lhs_hint = false} : vector<1000x128xf32>, vector<128x64xf32>, vector<1000x64xf32> -> vector<1000x64xf32>
    %get3A_28 = arith.constant 0 : index
    %get3A_29 = arith.constant 0 : index
    %get3A_30 = vector.load %arg4[%get3A_28, %get3A_29] : memref<1000x1xf32, #tpu.memory_space<vmem>>, vector<1000x1xf32>
    %mul3A_31 = vector.broadcast %get3A_30 : vector<1000x1xf32> to vector<1000x64xf32>
    %mul3A_32 = arith.mulf %dot_general3A_27, %mul3A_31 : vector<1000x64xf32>
    %swap3A = arith.constant 0 : index
    %swap3A_33 = arith.constant 0 : index
    %swap3A_34 = vector.load %arg7[%swap3A, %swap3A_33] : memref<1000x64xf32, #tpu.memory_space<vmem>>, vector<1000x64xf32>
    tpu.vector_store %arg7[%swap3A, %swap3A_33], %mul3A_32 {strides = array<i32>} : memref<1000x64xf32, #tpu.memory_space<vmem>>, vector<1000x64xf32>,
    return
  }
  func.func @transform_0(%arg0: i32) -> (i32, i32, i32) {
    %c0_i32 = arith.constant 0 : i32
    %c0_i32_0 = arith.constant 0 : i32
    %c0_i32_1 = arith.constant 0 : i32
    return %c0_i32, %arg0, %c0_i32_0 : i32, i32, i32
  }
  func.func @transform_1(%arg0: i32) -> (i32, i32, i32) {
    %c1_i32 = arith.constant 1 : i32
    %c0_i32 = arith.constant 0 : i32
    %c0_i32_0 = arith.constant 0 : i32
    return %c1_i32, %arg0, %c0_i32 : i32, i32, i32
  }
  func.func @transform_2(%arg0: i32) -> (i32, i32) {
    %c0_i32 = arith.constant 0 : i32
    %c0_i32_0 = arith.constant 0 : i32
    return %arg0, %c0_i32 : i32, i32
  }
  func.func @transform_3(%arg0: i32) -> (i32, i32) {
    %c0_i32 = arith.constant 0 : i32
    %c0_i32_0 = arith.constant 0 : i32
    return %arg0, %c0_i32 : i32, i32
  }
  func.func @transform_4(%arg0: i32) -> (i32, i32) {
    %c0_i32 = arith.constant 0 : i32
    %c0_i32_0 = arith.constant 0 : i32
    %c0_i32_1 = arith.constant 0 : i32
    return %c0_i32, %c0_i32_0 : i32, i32
  }
  func.func @transform_5(%arg0: i32) -> (i32, i32) {
    %c0_i32 = arith.constant 0 : i32
    %c0_i32_0 = arith.constant 0 : i32
    %c0_i32_1 = arith.constant 0 : i32
    return %c0_i32, %c0_i32_0 : i32, i32
  }
  func.func @transform_6(%arg0: i32) -> (i32, i32) {
    %c0_i32 = arith.constant 0 : i32
    %c0_i32_0 = arith.constant 0 : i32
    return %arg0, %c0_i32 : i32, i32
  }
}

module attributes {stable_mosaic.version = 14 : i64} {
  func.func @body(%arg0: i32, %arg1: memref<1x10000x64xf32, #tpu.memory_space<vmem>>, %arg2: memref<1x10000x64xf32, #tpu.memory_space<vmem>>, %arg3: memref<10000x64xf32, #tpu.memory_space<vmem>>, %arg4: memref<10000x1xf32, #tpu.memory_space<vmem>>, %arg5: memref<1x64xf32, #tpu.memory_space<vmem>>, %arg6: memref<64x1xf32, #tpu.memory_space<vmem>>, %arg7: memref<1x1xf32, #tpu.memory_space<vmem>>, %arg8: memref<10000xf32, #tpu.memory_space<vmem>>) attributes {dimension_semantics = [#tpu.dimension_semantics<arbitrary>], iteration_bounds = array<i64: 1>, scalar_prefetch = 0 : i64, scratch_operands = 0 : i64, tpu.core_type = #tpu.core_type<tc>, window_params = [{transform_indices = @transform_0, window_bounds = array<i64: 1, 10000, 64>}, {transform_indices = @transform_1, window_bounds = array<i64: 1, 10000, 64>}, {pipeline_mode = #tpu.pipeline_mode<synchronous>, transform_indices = @transform_2, window_bounds = array<i64: 10000, 64>}, {pipeline_mode = #tpu.pipeline_mode<synchronous>, transform_indices = @transform_3, window_bounds = array<i64: 10000, 1>}, {pipeline_mode = #tpu.pipeline_mode<synchronous>, transform_indices = @transform_4, window_bounds = array<i64: 1, 64>}, {pipeline_mode = #tpu.pipeline_mode<synchronous>, transform_indices = @transform_5, window_bounds = array<i64: 64, 1>}, {pipeline_mode = #tpu.pipeline_mode<synchronous>, transform_indices = @transform_6, window_bounds = array<i64: 1, 1>}, {pipeline_mode = #tpu.pipeline_mode<synchronous>, transform_indices = @transform_7, window_bounds = array<i64: 10000>}]} {
    %get3A = arith.constant 0 : index
    %get3A_0 = arith.constant 0 : index
    %get3A_1 = vector.load %arg4[%get3A, %get3A_0] : memref<10000x1xf32, #tpu.memory_space<vmem>>, vector<10000x1xf32>
    %get3A_2 = arith.constant 0 : index
    %get3A_3 = arith.constant 0 : index
    %get3A_4 = arith.constant 0 : index
    %get3A_5 = vector.load %arg1[%get3A_2, %get3A_3, %get3A_4] : memref<1x10000x64xf32, #tpu.memory_space<vmem>>, vector<1x10000x64xf32>
    %get3A_6 = vector.shape_cast %get3A_5 : vector<1x10000x64xf32> to vector<10000x64xf32>
    %get3A_7 = arith.constant 0 : index
    %get3A_8 = arith.constant 0 : index
    %get3A_9 = arith.constant 0 : index
    %get3A_10 = vector.load %arg2[%get3A_7, %get3A_8, %get3A_9] : memref<1x10000x64xf32, #tpu.memory_space<vmem>>, vector<1x10000x64xf32>
    %get3A_11 = vector.shape_cast %get3A_10 : vector<1x10000x64xf32> to vector<10000x64xf32>
    %add3A = arith.addf %get3A_6, %get3A_11 : vector<10000x64xf32>
    %get3A_12 = arith.constant 0 : index
    %get3A_13 = arith.constant 0 : index
    %get3A_14 = vector.load %arg3[%get3A_12, %get3A_13] : memref<10000x64xf32, #tpu.memory_space<vmem>>, vector<10000x64xf32>
    %add3A_15 = arith.addf %add3A, %get3A_14 : vector<10000x64xf32>
    %mul3A = vector.broadcast %get3A_1 : vector<10000x1xf32> to vector<10000x64xf32>
    %mul3A_16 = arith.mulf %mul3A, %add3A_15 : vector<10000x64xf32>
    %get3A_17 = arith.constant 0 : index
    %get3A_18 = arith.constant 0 : index
    %get3A_19 = vector.load %arg5[%get3A_17, %get3A_18] : memref<1x64xf32, #tpu.memory_space<vmem>>, vector<1x64xf32>
    %add3A_20 = vector.broadcast %get3A_19 : vector<1x64xf32> to vector<10000x64xf32>
    %add3A_21 = arith.addf %mul3A_16, %add3A_20 : vector<10000x64xf32>
    %max3A = arith.constant 0.000000e+00 : f32
    %max3A_22 = vector.broadcast %max3A : f32 to vector<10000x64xf32>
    %max3A_23 = arith.maximumf %add3A_21, %max3A_22 : vector<10000x64xf32>
    %get3A_24 = arith.constant 0 : index
    %get3A_25 = arith.constant 0 : index
    %get3A_26 = vector.load %arg6[%get3A_24, %get3A_25] : memref<64x1xf32, #tpu.memory_space<vmem>>, vector<64x1xf32>
    %dot_general3A = arith.constant dense<0.000000e+00> : vector<10000x1xf32>
    %dot_general3A_27 = tpu.matmul %max3A_23, %get3A_26, %dot_general3A {dimension_numbers = #tpu.dot_dimension_numbers<[1], [0], [0], [1], [0, 0, 1, 1], [], []>, transpose_lhs_hint = false} : vector<10000x64xf32>, vector<64x1xf32>, vector<10000x1xf32> -> vector<10000x1xf32>
    %get3A_28 = arith.constant 0 : index
    %get3A_29 = arith.constant 0 : index
    %get3A_30 = vector.load %arg7[%get3A_28, %get3A_29] : memref<1x1xf32, #tpu.memory_space<vmem>>, vector<1x1xf32>
    %add3A_31 = vector.broadcast %get3A_30 : vector<1x1xf32> to vector<10000x1xf32>
    %add3A_32 = arith.addf %dot_general3A_27, %add3A_31 : vector<10000x1xf32>
    %squeeze3A = vector.shape_cast %add3A_32 : vector<10000x1xf32> to vector<10000xf32>
    %swap3A = arith.constant 0 : index
    %swap3A_33 = vector.load %arg8[%swap3A] : memref<10000xf32, #tpu.memory_space<vmem>>, vector<10000xf32>
    tpu.vector_store %arg8[%swap3A], %squeeze3A {strides = array<i32>} : memref<10000xf32, #tpu.memory_space<vmem>>, vector<10000xf32>,
    return
  }
  func.func @transform_0(%arg0: i32) -> (i32, i32, i32) {
    %c0_i32 = arith.constant 0 : i32
    %c0_i32_0 = arith.constant 0 : i32
    %c0_i32_1 = arith.constant 0 : i32
    %c0_i32_2 = arith.constant 0 : i32
    return %c0_i32, %c0_i32_0, %c0_i32_1 : i32, i32, i32
  }
  func.func @transform_1(%arg0: i32) -> (i32, i32, i32) {
    %c1_i32 = arith.constant 1 : i32
    %c0_i32 = arith.constant 0 : i32
    %c0_i32_0 = arith.constant 0 : i32
    %c0_i32_1 = arith.constant 0 : i32
    return %c1_i32, %c0_i32, %c0_i32_0 : i32, i32, i32
  }
  func.func @transform_2(%arg0: i32) -> (i32, i32) {
    %c0_i32 = arith.constant 0 : i32
    %c0_i32_0 = arith.constant 0 : i32
    %c0_i32_1 = arith.constant 0 : i32
    return %c0_i32, %c0_i32_0 : i32, i32
  }
  func.func @transform_3(%arg0: i32) -> (i32, i32) {
    %c0_i32 = arith.constant 0 : i32
    %c0_i32_0 = arith.constant 0 : i32
    %c0_i32_1 = arith.constant 0 : i32
    return %c0_i32, %c0_i32_0 : i32, i32
  }
  func.func @transform_4(%arg0: i32) -> (i32, i32) {
    %c0_i32 = arith.constant 0 : i32
    %c0_i32_0 = arith.constant 0 : i32
    %c0_i32_1 = arith.constant 0 : i32
    return %c0_i32, %c0_i32_0 : i32, i32
  }
  func.func @transform_5(%arg0: i32) -> (i32, i32) {
    %c0_i32 = arith.constant 0 : i32
    %c0_i32_0 = arith.constant 0 : i32
    %c0_i32_1 = arith.constant 0 : i32
    return %c0_i32, %c0_i32_0 : i32, i32
  }
  func.func @transform_6(%arg0: i32) -> (i32, i32) {
    %c0_i32 = arith.constant 0 : i32
    %c0_i32_0 = arith.constant 0 : i32
    %c0_i32_1 = arith.constant 0 : i32
    return %c0_i32, %c0_i32_0 : i32, i32
  }
  func.func @transform_7(%arg0: i32) -> i32 {
    %c0_i32 = arith.constant 0 : i32
    %c0_i32_0 = arith.constant 0 : i32
    return %c0_i32 : i32
  }
}

</mosaic_0001>

<sc_bundles>
// kernel: kernel.12.cloned.1.call-start
scs
__scs_entry_jumppad:
0x0: {  	(pc) =	sbr.rel $0x88, $3  }
0x1: {  	(tag) =	ssettag $0x0;
	lr =	simm.s32 $0x1  }
0x2: {  	[smem:$0x3F99] =	sst lr;
	_ =	strace $0xD0000000  }
0x3: {  	_ = 	snop  }
0x4: {  	_ = 	snop  }
0x5: {  	_ = 	snop  }
0x6: {  	_ = 	snop  }
0x7: {  	_ = 	snop  }
__scs_overlays_trampoline_lowered:
0x8: {  	[smem:$0x3FA8] =	sst s0  }
0x9: {  	[smem:$0x3FA9] =	sst s1  }
0xa: {  	[smem:$0x3FAA] =	sst s2  }
0xb: {  	[smem:$0x3FAB] =	sst s3  }
0xc: {  	[smem:$0x3FAC] =	sst s4  }
0xd: {  	[smem:$0x3FAD] =	sst s5  }
0xe: {  	[smem:$0x3FAE] =	sst s6  }
0xf: {  	[smem:$0x3FAF] =	sst s7  }
0x10: {  	[smem:$0x3FB0] =	sst s8  }
0x11: {  	[smem:$0x3FB1] =	sst s9;
	s0 =	simm.s32 @!p0 $0x0  }
0x12: {  	s1 =	sld [smem:$0x3F97];
	s0 =	simm.s32 @p0 $0x1  }
0x13: {  	[smem:$0x3FB2] =	sst s0;
	s0 =	simm.s32 @!p1 $0x0  }
0x14: {  	s2 =	sld [smem:$0x3F96];
	s0 =	simm.s32 @p1 $0x1  }
0x15: {  	[smem:$0x3FB3] =	sst s0;
	s0 =	simm.s32 @!p2 $0x0  }
0x16: {  	s3 =	sld [smem:$0x3FDB];
	s0 =	simm.s32 @p2 $0x1  }
0x17: {  	s4 =	simm.s32 $0x1BF5;
	[smem:$0x3FB5] =	sst s0  }
0x18: {  	s0 =	sld [smem:$0x3F98];
	_ =	swait.ge [sflag:s4], $0x0  }
0x19: {  	s7 =	sld [smem:$0x3F99]  }
0x1a: {  	s8 =	sadd.s32 $0xFFFFE003, lr  }
0x1b: {  	s9 =	sadd.s32 $0xFFFFFEF7, lr;
	s5 =	simm.s32 $0xFFFFFFFF;
	p2 =	slt.u32 s8, $0xFFFFF086  }
0x1c: {  	p1 =	slt.u32 s9, $0xF7A;
	s5 =	simm.s32 @!p2 $0x0  }
0x1d: {  	s5 =	simm.s32 @p1 $0x1;
	p0 =	seq.s32 s7, s2  }
0x1e: {  	s7 =	smul.u32 @!p0 $0xF7A, s2;
	p2 =	seq.s32 @!p0 s5, $0x0  }
0x1f: {  	s9 =	smul.u32 $0xF7A, s1;
	s8 =	simm.s32 @!p0 $0x1BF5;
	p2 =	por !p2, p0  }
0x20: {  	[sflag:s8] =	ssyncset.s32 @!p0 $0xFFFFF086;
	s6 =	sadd.s32 @!p0 s3, s7;
	s7 =	simm.s32 @!p0 $0x108  }
0x21: {  	s3 =	sadd.s32 s3, s9;
	s6 =	sadd.s32 @!p0 $0x88, s6;
	s7 =	simm.s32 @p2 $0x1082  }
0x22: {  	[simem:s7], [sflag:s8] =	dma.local @!p0 [hbm:s6], $0xF7A  }
0x23: {  	s9 =	sor.u32 $0xD0000000, s2;
	s6 =	simm.s32 $0x108;
	_ =	swait.ge @!p0 [sflag:s8], $0x0  }
0x24: {  	s3 =	sadd.s32 $0x88, s3;
	s6 =	simm.s32 @!p1 $0x1082;
	[sflag:s4] =	ssyncset.s32 $0xFFFFF086  }
0x25: {  	[simem:s6], [sflag:s4] =	dma.local [hbm:s3], $0xF7A  }
0x26: {  	[smem:$0x3F99] =	sst s1;
	(tag) =	ssettag s2;
	_ =	strace s9  }
0x27: {  	s1 =	sld [smem:$0x3FA9]  }
0x28: {  	s2 =	sld [smem:$0x3FAA]  }
0x29: {  	s4 =	sld [smem:$0x3FAC]  }
0x2a: {  	p0 =	seq.s32 s5, $0x0;
	s5 =	sld [smem:$0x3FAD]  }
0x2b: {  	s6 =	sld [smem:$0x3FAE]  }
0x2c: {  	s7 =	sld [smem:$0x3FAF]  }
0x2d: {  	s3 =	simm.s32 $0x108;
	s8 =	sld [smem:$0x3FB0]  }
0x2e: {  	s3 =	simm.s32 @!p0 $0x1082;
	s9 =	sld [smem:$0x3FB1]  }
0x2f: {  	lr =	sadd.s32 s0, s3;
	s0 =	sld [smem:$0x3FA8]  }
0x30: {  	s3 =	sld [smem:$0x3FAB]  }
0x31: {  	[smem:$0x3FB4] =	sst s10  }
0x32: {  	s10 =	sld [smem:$0x3FB2];
	_ =	sdelay $0x3  }
0x33: {  	p0 =	seq.s32 s10, $0x1;
	s10 =	sld [smem:$0x3FB4];
	_ =	sdelay $0x3  }
0x34: {  	[smem:$0x3FB4] =	sst s10  }
0x35: {  	s10 =	sld [smem:$0x3FB3];
	_ =	sdelay $0x3  }
0x36: {  	p1 =	seq.s32 s10, $0x1;
	s10 =	sld [smem:$0x3FB4];
	_ =	sdelay $0x3  }
0x37: {  	[smem:$0x3FB4] =	sst s10  }
0x38: {  	s10 =	sld [smem:$0x3FB5]  }
0x39: {  	_ = 	snop;
	(pc) =	sbr.ind lr, $3  }
0x3a: {  	_ = 	snop  }
0x3b: {  	_ = 	snop  }
0x3c: {  	p2 =	seq.s32 s10, $0x1;
	s10 =	sld [smem:$0x3FB4]  }
0x3d: {  	_ =	shalt  }
0x3e: {  	_ =	shalt  }
0x3f: {  	_ =	shalt  }
0x40: {  	_ =	shalt  }
0x41: {  	_ =	shalt  }
0x42: {  	_ =	shalt  }
0x43: {  	_ =	shalt  }
0x44: {  	_ =	shalt  }
0x45: {  	_ =	shalt  }
0x46: {  	_ =	shalt  }
0x47: {  	_ =	shalt  }
0x48: {  	_ =	shalt  }
0x49: {  	_ =	shalt  }
0x4a: {  	_ =	shalt  }
0x4b: {  	_ =	shalt  }
0x4c: {  	_ =	shalt  }
0x4d: {  	_ =	shalt  }
0x4e: {  	_ =	shalt  }
0x4f: {  	_ =	shalt  }
0x50: {  	_ =	shalt  }
0x51: {  	_ =	shalt  }
0x52: {  	_ =	shalt  }
0x53: {  	_ =	shalt  }
0x54: {  	_ =	shalt  }
0x55: {  	_ =	shalt  }
0x56: {  	_ =	shalt  }
0x57: {  	_ =	shalt  }
0x58: {  	_ =	shalt  }
0x59: {  	_ =	shalt  }
0x5a: {  	_ =	shalt  }
0x5b: {  	_ =	shalt  }
0x5c: {  	_ =	shalt  }
0x5d: {  	_ =	shalt  }
0x5e: {  	_ =	shalt  }
0x5f: {  	_ =	shalt  }
0x60: {  	_ =	shalt  }
0x61: {  	_ =	shalt  }
0x62: {  	_ =	shalt  }
0x63: {  	_ =	shalt  }
0x64: {  	_ =	shalt  }
0x65: {  	_ =	shalt  }
0x66: {  	_ =	shalt  }
0x67: {  	_ =	shalt  }
0x68: {  	_ =	shalt  }
0x69: {  	_ =	shalt  }
0x6a: {  	_ =	shalt  }
0x6b: {  	_ =	shalt  }
0x6c: {  	_ =	shalt  }
0x6d: {  	_ =	shalt  }
0x6e: {  	_ =	shalt  }
0x6f: {  	_ =	shalt  }
0x70: {  	_ =	shalt  }
0x71: {  	_ =	shalt  }
0x72: {  	_ =	shalt  }
0x73: {  	_ =	shalt  }
0x74: {  	_ =	shalt  }
0x75: {  	_ =	shalt  }
0x76: {  	_ =	shalt  }
0x77: {  	_ =	shalt  }
0x78: {  	_ =	shalt  }
0x79: {  	_ =	shalt  }
0x7a: {  	_ =	shalt  }
0x7b: {  	_ =	shalt  }
0x7c: {  	_ =	shalt  }
0x7d: {  	_ =	shalt  }
0x7e: {  	_ =	shalt  }
0x7f: {  	_ =	shalt  }
0x80: {  	_ =	shalt  }
0x81: {  	_ =	shalt  }
0x82: {  	_ =	shalt  }
0x83: {  	_ =	shalt  }
0x84: {  	_ =	shalt  }
0x85: {  	_ =	shalt  }
0x86: {  	_ =	shalt  }
0x87: {  	_ =	shalt  }
.Lfunc_end0:
.L_simem_size_0:
called_computation.1_lowered:
.L_overlay_start_0:
0x88: {  	s2 =	sld [smem:$0x3FD9]  }
0x89: {  	s3 =	sld [smem:$0x3FFE];
	_ =	sdelay $0x1  }
0x8a: {  	s1 =	srdreg.scid  }
0x8b: {  	s0 =	sand.u32 $0x1, s1  }
0x8c: {  	s16 =	sshll.u32 s0, $0xA;
	s2 =	sadd.s32 s3, s2  }
0x8d: {  	s2 =	sadd.s32 s2, s16  }
0x8e: {  	[smem:$0x3FC0] =	sst s2  }
0x8f: {  	_ = 	snop  }
0x90: {  	(tm) =	ssettm $0x1  }
0x91: {  	s17 =	sld [smem:$0x3FFB];
	_ =	sdelay $0x3  }
0x92: {  	_ =	strace s17  }
0x93: {  	s2 =	sld [smem:$0x3FFC];
	_ =	sdelay $0x3  }
0x94: {  	_ =	strace s2  }
0x95: {  	s2 =	sld [smem:$0x3FFD];
	_ =	sdelay $0x3  }
0x96: {  	_ =	strace s2  }
0x97: {  	_ =	strace $0x8FFFFFFF  }
0x98: {  	s18 =	sld [smem:$0x3FDB];
	_ =	sdelay $0x1  }
0x99: {  	s19 =	simm.s32 $_scs_section_size  }
0x9a: {  	s4 =	simm.s32 $_size__tile_overlayer_lowered;
	s5 =	simm.s32 $_tile_overlayer_lowered  }
0x9b: {  	s22 =	simm.s32 $0x1BFF;
	s21 =	sshll.u32 s5, $0x1;
	s2 =	sadd.s32 s19, s18  }
0x9c: {  	s6 =	simm.s32 $0x0;
	s20 =	sshll.u32 s4, $0x1;
	s4 =	sadd.s32 s21, s2  }
0x9d: {  	[timem:s6], [sflag:s22] =	dma.local [hbm:s4], s20  }
0x9e: {  	_ =	swait.ge [sflag:s22], s20  }
0x9f: {  	s3 =	ssub.s32 $0x0, s20;
	[sflag:s22] =	ssyncset.done $0x0  }
0xa0: {  	[sflag:s22] =	ssyncadd.s32 s3;
	_ =	sdelay $0x1  }
0xa1: {  	s23 =	simm.s32 $0x1B8B  }
0xa2: {  	_ =	swait.ge [sflag:s23], $0x1  }
0xa3: {  	[sflag:s23] =	ssyncset.done $0x0  }
0xa4: {  	s25 =	simm.s32 $0x1B8E;
	s24 =	sld [smem:$0x3FFE];
	[sflag:s23] =	ssyncadd.s32 $0xFFFFFFFF  }
0xa5: {  	s26 =	simm.s32 $execute0_lowered;
	[smem:$0x3FD2] =	sst s25  }
0xa6: {  	s4 =	sshll.u32 s26, $0x1;
	_ =	strace $0x80000049;
	[dreg:$0x1] =	wrdreg $0xFFFFFFFF  }
0xa7: {  	s28 =	simm.s32 $_size_execute0_lowered;
	s2 =	sadd.s32 s2, s4;
	[dreg:$0x0] =	wrdreg $0x0  }
0xa8: {  	s4 =	sshll.u32 s28, $0x1;
	[dreg:$0x2] =	wrdreg s2  }
0xa9: {  	[dreg:$0x3] =	wrdreg s4  }
0xaa: {  	[dreg:$0x4] =	wrdreg $0xC0  }
0xab: {  	_ =	task [dreg:s6], $0x5FFFF  }
0xac: {  	[dreg:$0x1] =	wrdreg $0xFFFFFFFF  }
0xad: {  	[dreg:$0x0] =	wrdreg $0x60  }
0xae: {  	[dreg:$0x2] =	wrdreg s24  }
0xaf: {  	[dreg:$0x3] =	wrdreg $0xB2200  }
0xb0: {  	[dreg:$0x4] =	wrdreg $0x9  }
0xb1: {  	_ =	task.clear_ibuf [dreg:s6], $0x5FFFF;
	_ =	strace $0x90000049  }
0xb2: {  	s29 =	simm.s32 $0x9;
	_ =	strace $0x8000004B  }
0xb3: {  	_ =	swait.ge [sflag:s29], $0x1  }
0xb4: {  	[sflag:s29] =	ssyncadd.s32 $0xFFFFFFFF  }
0xb5: {  	_ =	strace $0x9000004B  }
0xb6: {  	_ =	sfence  }
0xb7: {  	s30 =	sld [smem:$0x0];
	_ =	sdelay $0x2  }
0xb8: {  	s31 =	sshll.u32 s1, $0xD;
	s1 =	sshrl.u32 s1, $0x2  }
0xb9: {  	s3 =	sand.u32 $0x4000, s31;
	s1 =	sadd.s32 s1, s30  }
0xba: {  	s0 =	sor.u32 s3, s0;
	s1 =	sshll.u32 s1, $0x11  }
0xbb: {  	s0 =	sor.u32 s1, s0  }
0xbc: {  	s0 =	sadd.s32 $0x8F2B, s0  }
0xbd: {  	[sflag:s0] =	ssyncadd.remote.s32 $0x1  }
0xbe: {  	_ =	sfence.sel $0xFFFF  }
0xbf: {  	[dreg:$0x0] =	wrdreg $0xFFFFFFFF;
	(pc) =	sbr.abs _section_cstart, $3  }
0xc0: {  	[dreg:$0x1] =	wrdreg $0xFFFFFFFF  }
0xc1: {  	_ =	task.clear_ibuf [dreg:s6], $0x2FFFF;
	_ =	strace $0x9FFFFFFF  }
0xc2: {  	(tm) =	ssettm $0x7FFFFFFF  }
0xc3: {  	_ =	shalt  }
tec
execute0_lowered:
.L_overlay_start_1:
0x0: {  	(tag) =	ssettag $0x1  }
0x1: {  	s0 =	srdreg.scid;
	s6 =	rddreg [dreg:$0x0]  }
0x2: {  	s10 =	stileid.u32;
	s2 =	rddreg [dreg:$0x1]  }
0x3: {  	s3 =	simm.s32 $0x0;
	s12 =	simm.s32 $0x6;
	s14 =	simm.s32 $0x28  }
0x4: {  	s15 =	simm.s32 $0x4E20;
	s16 =	simm.s32 $0x6220;
	s18 =	simm.s32 $0x7620  }
0x5: {  	s20 =	simm.s32 $0x8A20;
	s21 =	simm.s32 $0x1;
	s22 =	simm.s32 $0x9E20  }
0x6: {  	s23 =	simm.s32 $0x2;
	s24 =	simm.s32 $0x3;
	s25 =	simm.s32 $0x4  }
0x7: {  	s29 =	simm.s32 $0x26E8;
	s30 =	simm.s32 $0x4D80;
	s31 =	simm.s32 $0x4DA8  }
0x8: {  	s13 =	simm.s32 $0x0;
	s0 =	sand.u32 $0x1, s0;
	s1 =	sshll.u32 s10, $0x1  }
0x9: {  	s7 =	smul.u32 $0x14000, s10;
	[smem:$0x7FF] =	sst s3;
	s4 =	sadd.s32 $0x15E00, s6  }
0xa: {  	s28 =	sshll.u32 s10, $0x6;
	s1 =	sor.u32 s0, s1;
	s5 =	smul.u32 $0x140000, s0  }
0xb: {  	_ =	strace $0x8000004A;
	s0 =	ssub.s32 $0x2, s0;
	s1 =	smul.u32 $0x2710, s1  }
0xc: {  	s26 =	sshrl.u32 s0, $0x1;
	s11 =	sadd.s32 s7, s2;
	s8 =	sadd.s32 s7, s5  }
0xd: {  	s5 =	sadd.s32 $0x3D000, s6;
	s0 =	ssub.s32 s0, s26;
	s11 =	sshrl.u32 s11, $0x3  }
0xe: {  	s26 =	simm.s32 $0x5;
	s1 =	sshrl.u32 s1, $0x3;
	s8 =	sshrl.u32 s8, $0x3  }
0xf: {  	s10 =	smax.u32 s0, $0x1;
	s0 =	simm.s32 $0x4DF8;
	s1 =	sadd.s32 s1, s6  }
0x10: {  	s9 =	sadd.s32 s8, s6;
	s6 =	sor.u32 $0x1C06, s28;
	s7 =	sadd.s32 $0x2400, s1  }
0x11: {  	s8 =	sadd.s32 $0xC040, s1;
	s9 =	sadd.s32 $0x3F800, s9;
	s1 =	simm.s32 $0x4DD0  }
.LBB2_1:
0x12: {  	[spmem:s11], [sflag:s6] =	dma.local [hbm:s5], $0x2800  }
0x13: {  	_ =	swait.ge [sflag:s12], $0x2800  }
0x14: {  	[sflag:s12] =	ssyncset.done $0x0  }
0x15: {  	[sflag:s12] =	ssyncadd.s32 $0xFFFFD800  }
0x16: {  	[tilespmem:s3], [sflag:$0x6] =	stream.linear.gather [hbm4b:s7+s3], $0x2710, $0x38;
	[tilespmem:$0x1F220] =	vst v63  }
0x17: {  	_ =	swait.ge [sflag:s12], $0x2710  }
0x18: {  	[sflag:s12] =	ssyncset.done $0x0  }
0x19: {  	s17 =	simm.s32 $0x2710;
	[sflag:s12] =	ssyncadd.s32 $0xFFFFD8F0  }
0x1a: {  	[tilespmem:s17], [sflag:$0x6] =	stream.linear.gather [hbm4b:s8+s3], $0x2710, $0x38;
	[tilespmem:$0x1F220] =	vst v63  }
0x1b: {  	_ =	swait.ge [sflag:s12], $0x2710  }
0x1c: {  	[sflag:s12] =	ssyncset.done $0x0  }
0x1d: {  	[sflag:s12] =	ssyncadd.s32 $0xFFFFD8F0  }
0x1e: {  	[bflag:$0x0] =	sbarrier.arrive $0xFFFF  }
0x1f: {  	[tilespmem:s15], [sflag:$0x1] =	stream.indirect.gather [hbm4b:s4+s14], $0x80, s3, s14, $0xb8;
	[tilespmem:$0x1F220] =	vst v63  }
0x20: {  	_ = 	snop  }
0x21: {  	[tilespmem:s16], [sflag:$0x2] =	stream.indirect.gather [hbm4b:s4+s14], $0x80, s14, s14, $0xb8;
	[tilespmem:$0x1F220] =	vst v63  }
0x22: {  	s28 =	simm.s32 $0x50  }
0x23: {  	[tilespmem:s18], [sflag:$0x3] =	stream.indirect.gather [hbm4b:s4+s14], $0x80, s28, s14, $0xb8;
	[tilespmem:$0x1F220] =	vst v63  }
0x24: {  	s19 =	simm.s32 $0x78  }
0x25: {  	[tilespmem:s20], [sflag:$0x4] =	stream.indirect.gather [hbm4b:s4+s14], $0x80, s19, s14, $0xb8;
	[tilespmem:$0x1F220] =	vst v63  }
0x26: {  	_ =	swait.ge [sflag:s21], $0x1400  }
0x27: {  	[sflag:s21] =	ssyncset.done $0x0  }
0x28: {  	s28 =	simm.s32 $0x2710;
	[sflag:s21] =	ssyncadd.s32 $0xFFFFEC00  }
0x29: {  	[spmem:s2] =	stream.indirect.scatter.add.f32 [tilespmem:s15], [sflag:$0x6], $0x80, s28, s14, $0xb8;
	[tilespmem:$0x1F220] =	vst v63  }
0x2a: {  	_ =	swait.ge [sflag:s12], $0x1400  }
0x2b: {  	[sflag:s12] =	ssyncset.done $0x0  }
0x2c: {  	s19 =	simm.s32 $0xA0;
	[sflag:s12] =	ssyncadd.s32 $0xFFFFEC00  }
0x2d: {  	[tilespmem:s22], [sflag:$0x5] =	stream.indirect.gather [hbm4b:s4+s14], $0x80, s19, s14, $0xb8;
	[tilespmem:$0x1F220] =	vst v63  }
0x2e: {  	_ =	swait.ge [sflag:s23], $0x1400  }
0x2f: {  	[sflag:s23] =	ssyncset.done $0x0  }
0x30: {  	s28 =	simm.s32 $0x2738;
	[sflag:s23] =	ssyncadd.s32 $0xFFFFEC00  }
0x31: {  	[spmem:s2] =	stream.indirect.scatter.add.f32 [tilespmem:s16], [sflag:$0x6], $0x80, s28, s14, $0xb8;
	[tilespmem:$0x1F220] =	vst v63  }
0x32: {  	_ =	swait.ge [sflag:s12], $0x1400  }
0x33: {  	[sflag:s12] =	ssyncset.done $0x0  }
0x34: {  	s19 =	simm.s32 $0xC8;
	[sflag:s12] =	ssyncadd.s32 $0xFFFFEC00  }
0x35: {  	[tilespmem:s15], [sflag:$0x1] =	stream.indirect.gather [hbm4b:s4+s14], $0x80, s19, s14, $0xb8;
	[tilespmem:$0x1F220] =	vst v63  }
0x36: {  	_ =	swait.ge [sflag:s24], $0x1400  }
0x37: {  	[sflag:s24] =	ssyncset.done $0x0  }
0x38: {  	s28 =	simm.s32 $0x2760;
	[sflag:s24] =	ssyncadd.s32 $0xFFFFEC00  }
0x39: {  	[spmem:s2] =	stream.indirect.scatter.add.f32 [tilespmem:s18], [sflag:$0x6], $0x80, s28, s14, $0xb8;
	[tilespmem:$0x1F220] =	vst v63  }
0x3a: {  	_ =	swait.ge [sflag:s12], $0x1400  }
0x3b: {  	[sflag:s12] =	ssyncset.done $0x0  }
0x3c: {  	s19 =	simm.s32 $0xF0;
	[sflag:s12] =	ssyncadd.s32 $0xFFFFEC00  }
0x3d: {  	[tilespmem:s16], [sflag:$0x2] =	stream.indirect.gather [hbm4b:s4+s14], $0x80, s19, s14, $0xb8;
	[tilespmem:$0x1F220] =	vst v63  }
0x3e: {  	_ =	swait.ge [sflag:s25], $0x1400  }
0x3f: {  	[sflag:s25] =	ssyncset.done $0x0  }
0x40: {  	s28 =	simm.s32 $0x2788;
	[sflag:s25] =	ssyncadd.s32 $0xFFFFEC00  }
0x41: {  	[spmem:s2] =	stream.indirect.scatter.add.f32 [tilespmem:s20], [sflag:$0x6], $0x80, s28, s14, $0xb8;
	[tilespmem:$0x1F220] =	vst v63  }
0x42: {  	_ =	swait.ge [sflag:s12], $0x1400  }
0x43: {  	[sflag:s12] =	ssyncset.done $0x0  }
0x44: {  	s19 =	simm.s32 $0x118;
	[sflag:s12] =	ssyncadd.s32 $0xFFFFEC00  }
0x45: {  	[tilespmem:s18], [sflag:$0x3] =	stream.indirect.gather [hbm4b:s4+s14], $0x80, s19, s14, $0xb8;
	[tilespmem:$0x1F220] =	vst v63  }
0x46: {  	_ =	swait.ge [sflag:s26], $0x1400  }
0x47: {  	[sflag:s26] =	ssyncset.done $0x0  }
0x48: {  	s28 =	simm.s32 $0x27B0;
	[sflag:s26] =	ssyncadd.s32 $0xFFFFEC00  }
0x49: {  	[spmem:s2] =	stream.indirect.scatter.add.f32 [tilespmem:s22], [sflag:$0x6], $0x80, s28, s14, $0xb8;
	[tilespmem:$0x1F220] =	vst v63  }
0x4a: {  	_ =	swait.ge [sflag:s12], $0x1400  }
0x4b: {  	[sflag:s12] =	ssyncset.done $0x0  }
0x4c: {  	s17 =	simm.s32 $0x320;
	s19 =	simm.s32 $0x140;
	[sflag:s12] =	ssyncadd.s32 $0xFFFFEC00  }
.LBB2_2:
0x4d: {  	[tilespmem:s20], [sflag:$0x4] =	stream.indirect.gather [hbm4b:s4+s14], $0x80, s19, s14, $0xb8;
	[tilespmem:$0x1F220] =	vst v63  }
0x4e: {  	s19 =	smov.u32 s17  }
0x4f: {  	p0 =	sne.s32 s17, $0x9600;
	s17 =	sadd.s32 $0x320, s17;
	_ =	swait.ge [sflag:s21], $0x1400  }
0x50: {  	s19 =	sshra.s32 s19, $0x2;
	[sflag:s21] =	ssyncset.done $0x0  }
0x51: {  	s28 =	sadd.s32 $0x2710, s19;
	[sflag:s21] =	ssyncadd.s32 $0xFFFFEC00  }
0x52: {  	[spmem:s2] =	stream.indirect.scatter.add.f32 [tilespmem:s15], [sflag:$0x6], $0x80, s28, s14, $0xb8;
	[tilespmem:$0x1F220] =	vst v63  }
0x53: {  	_ =	swait.ge [sflag:s12], $0x1400  }
0x54: {  	[sflag:s12] =	ssyncset.done $0x0  }
0x55: {  	s28 =	sadd.s32 $0xA0, s19;
	[sflag:s12] =	ssyncadd.s32 $0xFFFFEC00  }
0x56: {  	[tilespmem:s22], [sflag:$0x5] =	stream.indirect.gather [hbm4b:s4+s14], $0x80, s28, s14, $0xb8;
	[tilespmem:$0x1F220] =	vst v63  }
0x57: {  	_ =	swait.ge [sflag:s23], $0x1400  }
0x58: {  	[sflag:s23] =	ssyncset.done $0x0  }
0x59: {  	s28 =	sadd.s32 $0x2738, s19;
	[sflag:s23] =	ssyncadd.s32 $0xFFFFEC00  }
0x5a: {  	[spmem:s2] =	stream.indirect.scatter.add.f32 [tilespmem:s16], [sflag:$0x6], $0x80, s28, s14, $0xb8;
	[tilespmem:$0x1F220] =	vst v63  }
0x5b: {  	_ =	swait.ge [sflag:s12], $0x1400  }
0x5c: {  	[sflag:s12] =	ssyncset.done $0x0  }
0x5d: {  	s28 =	sadd.s32 $0xC8, s19;
	[sflag:s12] =	ssyncadd.s32 $0xFFFFEC00  }
0x5e: {  	[tilespmem:s15], [sflag:$0x1] =	stream.indirect.gather [hbm4b:s4+s14], $0x80, s28, s14, $0xb8;
	[tilespmem:$0x1F220] =	vst v63  }
0x5f: {  	_ =	swait.ge [sflag:s24], $0x1400  }
0x60: {  	[sflag:s24] =	ssyncset.done $0x0  }
0x61: {  	s28 =	sadd.s32 $0x2760, s19;
	[sflag:s24] =	ssyncadd.s32 $0xFFFFEC00  }
0x62: {  	[spmem:s2] =	stream.indirect.scatter.add.f32 [tilespmem:s18], [sflag:$0x6], $0x80, s28, s14, $0xb8;
	[tilespmem:$0x1F220] =	vst v63  }
0x63: {  	_ =	swait.ge [sflag:s12], $0x1400  }
0x64: {  	[sflag:s12] =	ssyncset.done $0x0  }
0x65: {  	s28 =	sadd.s32 $0xF0, s19;
	[sflag:s12] =	ssyncadd.s32 $0xFFFFEC00  }
0x66: {  	[tilespmem:s16], [sflag:$0x2] =	stream.indirect.gather [hbm4b:s4+s14], $0x80, s28, s14, $0xb8;
	[tilespmem:$0x1F220] =	vst v63  }
0x67: {  	_ =	swait.ge [sflag:s25], $0x1400  }
0x68: {  	[sflag:s25] =	ssyncset.done $0x0  }
0x69: {  	s28 =	sadd.s32 $0x2788, s19;
	[sflag:s25] =	ssyncadd.s32 $0xFFFFEC00  }
0x6a: {  	[spmem:s2] =	stream.indirect.scatter.add.f32 [tilespmem:s20], [sflag:$0x6], $0x80, s28, s14, $0xb8;
	[tilespmem:$0x1F220] =	vst v63  }
0x6b: {  	_ =	swait.ge [sflag:s12], $0x1400  }
0x6c: {  	[sflag:s12] =	ssyncset.done $0x0  }
0x6d: {  	s28 =	sadd.s32 $0x118, s19;
	[sflag:s12] =	ssyncadd.s32 $0xFFFFEC00  }
0x6e: {  	[tilespmem:s18], [sflag:$0x3] =	stream.indirect.gather [hbm4b:s4+s14], $0x80, s28, s14, $0xb8;
	[tilespmem:$0x1F220] =	vst v63  }
0x6f: {  	_ =	swait.ge [sflag:s26], $0x1400  }
0x70: {  	[sflag:s26] =	ssyncset.done $0x0  }
.Ltmp0:
0x71: {  	s28 =	sadd.s32 $0x27B0, s19;
	[sflag:s26] =	ssyncadd.s32 $0xFFFFEC00;
	(pc) =	sbr.rel @p0 .LBB2_2-.Ltmp0, $4  }
0x72: {  	[spmem:s2] =	stream.indirect.scatter.add.f32 [tilespmem:s22], [sflag:$0x6], $0x80, s28, s14, $0xb8;
	[tilespmem:$0x1F220] =	vst v63  }
0x73: {  	_ =	swait.ge [sflag:s12], $0x1400  }
0x74: {  	[sflag:s12] =	ssyncset.done $0x0  }
0x75: {  	s19 =	sadd.s32 $0x140, s19;
	[sflag:s12] =	ssyncadd.s32 $0xFFFFEC00  }
0x76: {  	[tilespmem:s20], [sflag:$0x4] =	stream.indirect.gather [hbm4b:s4+s14], $0x80, s19, s14, $0xb8;
	[tilespmem:$0x1F220] =	vst v63  }
0x77: {  	_ =	swait.ge [sflag:s21], $0x1400  }
0x78: {  	[sflag:s21] =	ssyncset.done $0x0  }
0x79: {  	s17 =	simm.s32 $0x4D58;
	[sflag:s21] =	ssyncadd.s32 $0xFFFFEC00  }
0x7a: {  	[spmem:s2] =	stream.indirect.scatter.add.f32 [tilespmem:s15], [sflag:$0x6], $0x80, s17, s14, $0xb8;
	[tilespmem:$0x1F220] =	vst v63  }
0x7b: {  	_ =	swait.ge [sflag:s12], $0x1400  }
0x7c: {  	[sflag:s12] =	ssyncset.done $0x0  }
0x7d: {  	[sflag:s12] =	ssyncadd.s32 $0xFFFFEC00  }
0x7e: {  	[tilespmem:s22], [sflag:$0x5] =	stream.indirect.gather [hbm4b:s4+s14], $0x80, s29, s14, $0xb8;
	[tilespmem:$0x1F220] =	vst v63  }
0x7f: {  	_ =	swait.ge [sflag:s23], $0x1400  }
0x80: {  	[sflag:s23] =	ssyncset.done $0x0  }
0x81: {  	[sflag:s23] =	ssyncadd.s32 $0xFFFFEC00  }
0x82: {  	[spmem:s2] =	stream.indirect.scatter.add.f32 [tilespmem:s16], [sflag:$0x6], $0x80, s30, s14, $0xb8;
	[tilespmem:$0x1F220] =	vst v63  }
0x83: {  	_ =	swait.ge [sflag:s12], $0x1400  }
0x84: {  	[sflag:s12] =	ssyncset.done $0x0  }
0x85: {  	[sflag:s12] =	ssyncadd.s32 $0xFFFFEC00  }
0x86: {  	_ =	swait.ge [sflag:s24], $0x1400  }
0x87: {  	[sflag:s24] =	ssyncset.done $0x0  }
0x88: {  	[sflag:s24] =	ssyncadd.s32 $0xFFFFEC00  }
0x89: {  	[spmem:s2] =	stream.indirect.scatter.add.f32 [tilespmem:s18], [sflag:$0x6], $0x80, s31, s14, $0xb8;
	[tilespmem:$0x1F220] =	vst v63  }
0x8a: {  	_ =	swait.ge [sflag:s12], $0x1400  }
0x8b: {  	[sflag:s12] =	ssyncset.done $0x0  }
0x8c: {  	[sflag:s12] =	ssyncadd.s32 $0xFFFFEC00  }
0x8d: {  	_ =	swait.ge [sflag:s25], $0x1400  }
0x8e: {  	[sflag:s25] =	ssyncset.done $0x0  }
0x8f: {  	[sflag:s25] =	ssyncadd.s32 $0xFFFFEC00  }
0x90: {  	[spmem:s2] =	stream.indirect.scatter.add.f32 [tilespmem:s20], [sflag:$0x6], $0x80, s1, s14, $0xb8;
	[tilespmem:$0x1F220] =	vst v63  }
0x91: {  	_ =	swait.ge [sflag:s12], $0x1400  }
0x92: {  	[sflag:s12] =	ssyncset.done $0x0  }
0x93: {  	[sflag:s12] =	ssyncadd.s32 $0xFFFFEC00  }
0x94: {  	_ =	swait.ge [sflag:s26], $0x1400  }
0x95: {  	[sflag:s26] =	ssyncset.done $0x0  }
0x96: {  	[sflag:s26] =	ssyncadd.s32 $0xFFFFEC00  }
0x97: {  	[spmem:s2] =	stream.indirect.scatter.add.f32 [tilespmem:s22], [sflag:$0x6], $0x80, s0, s14, $0xb8;
	[tilespmem:$0x1F220] =	vst v63  }
0x98: {  	_ =	swait.ge [sflag:s12], $0x1400  }
0x99: {  	s13 =	sadd.s32 $0x1, s13;
	[sflag:s12] =	ssyncset.done $0x0  }
0x9a: {  	p0 =	sne.s32 s13, s10;
	[sflag:s12] =	ssyncadd.s32 $0xFFFFEC00  }
.Ltmp1:
0x9b: {  	[bflag:$0x0] =	sbarrier.arrive $0xFFFF;
	(pc) =	sbr.rel @p0 .LBB2_1-.Ltmp1, $4  }
0x9c: {  	[hbm:s9], [sflag:s6] =	dma.local [spmem:s11], $0x2800  }
0x9d: {  	_ =	swait.ge [sflag:s12], $0x2800  }
0x9e: {  	[sflag:s12] =	ssyncset.done $0x0  }
0x9f: {  	[sflag:s12] =	ssyncadd.s32 $0xFFFFD800  }
0xa0: {  	_ =	sfence.sel $0x180000  }
0xa1: {  	[bflag:$0x0] =	sbarrier.arrive $0xFFFF  }
0xa2: {  	_ =	strace $0x9000004A  }
0xa3: {  	s0 =	stileid.u32;
	[bflag:$0x2] =	sbarrier.arrive $0xFFFF  }
0xa4: {  	p0 =	sne.s32 s0, $0x0;
	s0 =	rddreg [dreg:$0x2]  }
0xa5: {  	s0 =	sadd.s32 @!p0 $0x100000, s0  }
0xa6: {  	[sflag:s0] =	ssyncadd.tile.s32 @!p0 $0x1;
	_ =	shalt  }
.Lfunc_end2:
_tile_overlayer_lowered:
.L_overlay_start_2:
0xa7: {  	(tag) =	ssettag $0x2  }
0xa8: {  	s0 =	rddreg [dreg:$0x0];
	s2 =	stileid.u32  }
0xa9: {  	s1 =	rddreg [dreg:$0x1];
	p0 =	sne.s32 s2, $0x0  }
0xaa: {  	s3 =	rddreg [dreg:$0x2];
	[bflag:$0x3] =	sbarrier.arrive $0xFFFF;
	s2 =	simm.s32 @!p0 $0x1C06  }
0xab: {  	[timem:s3], [sflag:s2] =	dma.local @!p0 [hbm:s0], s1  }
0xac: {  	s0 =	simm.s32 @!p0 $0x6  }
0xad: {  	_ =	swait.ge @!p0 [sflag:s0], s1  }
0xae: {  	s1 =	ssub.s32 @!p0 $0x0, s1;
	[sflag:s0] =	ssyncset.done @!p0 $0x0  }
0xaf: {  	[sflag:s0] =	ssyncadd.s32 @!p0 s1  }
0xb0: {  	[bflag:$0x3] =	sbarrier.arrive $0xFFFF  }
0xb1: {  	_ =	shalt  }

// kernel: kernel.15.cloned.1.call-start
scs
__scs_entry_jumppad:
0x0: {  	(pc) =	sbr.rel $0x88, $3  }
0x1: {  	(tag) =	ssettag $0x0;
	lr =	simm.s32 $0x1  }
0x2: {  	[smem:$0x3F99] =	sst lr;
	_ =	strace $0xD0000000  }
0x3: {  	_ = 	snop  }
0x4: {  	_ = 	snop  }
0x5: {  	_ = 	snop  }
0x6: {  	_ = 	snop  }
0x7: {  	_ = 	snop  }
__scs_overlays_trampoline_lowered:
0x8: {  	[smem:$0x3FA8] =	sst s0  }
0x9: {  	[smem:$0x3FA9] =	sst s1  }
0xa: {  	[smem:$0x3FAA] =	sst s2  }
0xb: {  	[smem:$0x3FAB] =	sst s3  }
0xc: {  	[smem:$0x3FAC] =	sst s4  }
0xd: {  	[smem:$0x3FAD] =	sst s5  }
0xe: {  	[smem:$0x3FAE] =	sst s6  }
0xf: {  	[smem:$0x3FAF] =	sst s7  }
0x10: {  	[smem:$0x3FB0] =	sst s8  }
0x11: {  	[smem:$0x3FB1] =	sst s9;
	s0 =	simm.s32 @!p0 $0x0  }
0x12: {  	s1 =	sld [smem:$0x3F97];
	s0 =	simm.s32 @p0 $0x1  }
0x13: {  	[smem:$0x3FB2] =	sst s0;
	s0 =	simm.s32 @!p1 $0x0  }
0x14: {  	s2 =	sld [smem:$0x3F96];
	s0 =	simm.s32 @p1 $0x1  }
0x15: {  	[smem:$0x3FB3] =	sst s0;
	s0 =	simm.s32 @!p2 $0x0  }
0x16: {  	s3 =	sld [smem:$0x3FDB];
	s0 =	simm.s32 @p2 $0x1  }
0x17: {  	s4 =	simm.s32 $0x1BF5;
	[smem:$0x3FB5] =	sst s0  }
0x18: {  	s0 =	sld [smem:$0x3F98];
	_ =	swait.ge [sflag:s4], $0x0  }
0x19: {  	s7 =	sld [smem:$0x3F99]  }
0x1a: {  	s8 =	sadd.s32 $0xFFFFE003, lr  }
0x1b: {  	s9 =	sadd.s32 $0xFFFFFEF7, lr;
	s5 =	simm.s32 $0xFFFFFFFF;
	p2 =	slt.u32 s8, $0xFFFFF086  }
0x1c: {  	p1 =	slt.u32 s9, $0xF7A;
	s5 =	simm.s32 @!p2 $0x0  }
0x1d: {  	s5 =	simm.s32 @p1 $0x1;
	p0 =	seq.s32 s7, s2  }
0x1e: {  	s7 =	smul.u32 @!p0 $0xF7A, s2;
	p2 =	seq.s32 @!p0 s5, $0x0  }
0x1f: {  	s9 =	smul.u32 $0xF7A, s1;
	s8 =	simm.s32 @!p0 $0x1BF5;
	p2 =	por !p2, p0  }
0x20: {  	[sflag:s8] =	ssyncset.s32 @!p0 $0xFFFFF086;
	s6 =	sadd.s32 @!p0 s3, s7;
	s7 =	simm.s32 @!p0 $0x108  }
0x21: {  	s3 =	sadd.s32 s3, s9;
	s6 =	sadd.s32 @!p0 $0x88, s6;
	s7 =	simm.s32 @p2 $0x1082  }
0x22: {  	[simem:s7], [sflag:s8] =	dma.local @!p0 [hbm:s6], $0xF7A  }
0x23: {  	s9 =	sor.u32 $0xD0000000, s2;
	s6 =	simm.s32 $0x108;
	_ =	swait.ge @!p0 [sflag:s8], $0x0  }
0x24: {  	s3 =	sadd.s32 $0x88, s3;
	s6 =	simm.s32 @!p1 $0x1082;
	[sflag:s4] =	ssyncset.s32 $0xFFFFF086  }
0x25: {  	[simem:s6], [sflag:s4] =	dma.local [hbm:s3], $0xF7A  }
0x26: {  	[smem:$0x3F99] =	sst s1;
	(tag) =	ssettag s2;
	_ =	strace s9  }
0x27: {  	s1 =	sld [smem:$0x3FA9]  }
0x28: {  	s2 =	sld [smem:$0x3FAA]  }
0x29: {  	s4 =	sld [smem:$0x3FAC]  }
0x2a: {  	p0 =	seq.s32 s5, $0x0;
	s5 =	sld [smem:$0x3FAD]  }
0x2b: {  	s6 =	sld [smem:$0x3FAE]  }
0x2c: {  	s7 =	sld [smem:$0x3FAF]  }
0x2d: {  	s3 =	simm.s32 $0x108;
	s8 =	sld [smem:$0x3FB0]  }
0x2e: {  	s3 =	simm.s32 @!p0 $0x1082;
	s9 =	sld [smem:$0x3FB1]  }
0x2f: {  	lr =	sadd.s32 s0, s3;
	s0 =	sld [smem:$0x3FA8]  }
0x30: {  	s3 =	sld [smem:$0x3FAB]  }
0x31: {  	[smem:$0x3FB4] =	sst s10  }
0x32: {  	s10 =	sld [smem:$0x3FB2];
	_ =	sdelay $0x3  }
0x33: {  	p0 =	seq.s32 s10, $0x1;
	s10 =	sld [smem:$0x3FB4];
	_ =	sdelay $0x3  }
0x34: {  	[smem:$0x3FB4] =	sst s10  }
0x35: {  	s10 =	sld [smem:$0x3FB3];
	_ =	sdelay $0x3  }
0x36: {  	p1 =	seq.s32 s10, $0x1;
	s10 =	sld [smem:$0x3FB4];
	_ =	sdelay $0x3  }
0x37: {  	[smem:$0x3FB4] =	sst s10  }
0x38: {  	s10 =	sld [smem:$0x3FB5]  }
0x39: {  	_ = 	snop;
	(pc) =	sbr.ind lr, $3  }
0x3a: {  	_ = 	snop  }
0x3b: {  	_ = 	snop  }
0x3c: {  	p2 =	seq.s32 s10, $0x1;
	s10 =	sld [smem:$0x3FB4]  }
0x3d: {  	_ =	shalt  }
0x3e: {  	_ =	shalt  }
0x3f: {  	_ =	shalt  }
0x40: {  	_ =	shalt  }
0x41: {  	_ =	shalt  }
0x42: {  	_ =	shalt  }
0x43: {  	_ =	shalt  }
0x44: {  	_ =	shalt  }
0x45: {  	_ =	shalt  }
0x46: {  	_ =	shalt  }
0x47: {  	_ =	shalt  }
0x48: {  	_ =	shalt  }
0x49: {  	_ =	shalt  }
0x4a: {  	_ =	shalt  }
0x4b: {  	_ =	shalt  }
0x4c: {  	_ =	shalt  }
0x4d: {  	_ =	shalt  }
0x4e: {  	_ =	shalt  }
0x4f: {  	_ =	shalt  }
0x50: {  	_ =	shalt  }
0x51: {  	_ =	shalt  }
0x52: {  	_ =	shalt  }
0x53: {  	_ =	shalt  }
0x54: {  	_ =	shalt  }
0x55: {  	_ =	shalt  }
0x56: {  	_ =	shalt  }
0x57: {  	_ =	shalt  }
0x58: {  	_ =	shalt  }
0x59: {  	_ =	shalt  }
0x5a: {  	_ =	shalt  }
0x5b: {  	_ =	shalt  }
0x5c: {  	_ =	shalt  }
0x5d: {  	_ =	shalt  }
0x5e: {  	_ =	shalt  }
0x5f: {  	_ =	shalt  }
0x60: {  	_ =	shalt  }
0x61: {  	_ =	shalt  }
0x62: {  	_ =	shalt  }
0x63: {  	_ =	shalt  }
0x64: {  	_ =	shalt  }
0x65: {  	_ =	shalt  }
0x66: {  	_ =	shalt  }
0x67: {  	_ =	shalt  }
0x68: {  	_ =	shalt  }
0x69: {  	_ =	shalt  }
0x6a: {  	_ =	shalt  }
0x6b: {  	_ =	shalt  }
0x6c: {  	_ =	shalt  }
0x6d: {  	_ =	shalt  }
0x6e: {  	_ =	shalt  }
0x6f: {  	_ =	shalt  }
0x70: {  	_ =	shalt  }
0x71: {  	_ =	shalt  }
0x72: {  	_ =	shalt  }
0x73: {  	_ =	shalt  }
0x74: {  	_ =	shalt  }
0x75: {  	_ =	shalt  }
0x76: {  	_ =	shalt  }
0x77: {  	_ =	shalt  }
0x78: {  	_ =	shalt  }
0x79: {  	_ =	shalt  }
0x7a: {  	_ =	shalt  }
0x7b: {  	_ =	shalt  }
0x7c: {  	_ =	shalt  }
0x7d: {  	_ =	shalt  }
0x7e: {  	_ =	shalt  }
0x7f: {  	_ =	shalt  }
0x80: {  	_ =	shalt  }
0x81: {  	_ =	shalt  }
0x82: {  	_ =	shalt  }
0x83: {  	_ =	shalt  }
0x84: {  	_ =	shalt  }
0x85: {  	_ =	shalt  }
0x86: {  	_ =	shalt  }
0x87: {  	_ =	shalt  }
.Lfunc_end0:
.L_simem_size_0:
called_computation.2_lowered:
.L_overlay_start_0:
0x88: {  	s2 =	sld [smem:$0x3FD9]  }
0x89: {  	s3 =	sld [smem:$0x3FFE];
	_ =	sdelay $0x1  }
0x8a: {  	s1 =	srdreg.scid  }
0x8b: {  	s0 =	sand.u32 $0x1, s1  }
0x8c: {  	s16 =	sshll.u32 s0, $0xA;
	s2 =	sadd.s32 s3, s2  }
0x8d: {  	s2 =	sadd.s32 s2, s16  }
0x8e: {  	[smem:$0x3FC0] =	sst s2  }
0x8f: {  	_ = 	snop  }
0x90: {  	(tm) =	ssettm $0x1  }
0x91: {  	s17 =	sld [smem:$0x3FFB];
	_ =	sdelay $0x3  }
0x92: {  	_ =	strace s17  }
0x93: {  	s2 =	sld [smem:$0x3FFC];
	_ =	sdelay $0x3  }
0x94: {  	_ =	strace s2  }
0x95: {  	s2 =	sld [smem:$0x3FFD];
	_ =	sdelay $0x3  }
0x96: {  	_ =	strace s2  }
0x97: {  	_ =	strace $0x8FFFFFFF  }
0x98: {  	s18 =	sld [smem:$0x3FDB];
	_ =	sdelay $0x1  }
0x99: {  	s19 =	simm.s32 $_scs_section_size  }
0x9a: {  	s4 =	simm.s32 $_size__tile_overlayer_lowered;
	s5 =	simm.s32 $_tile_overlayer_lowered  }
0x9b: {  	s22 =	simm.s32 $0x1BFF;
	s21 =	sshll.u32 s5, $0x1;
	s2 =	sadd.s32 s19, s18  }
0x9c: {  	s6 =	simm.s32 $0x0;
	s20 =	sshll.u32 s4, $0x1;
	s4 =	sadd.s32 s21, s2  }
0x9d: {  	[timem:s6], [sflag:s22] =	dma.local [hbm:s4], s20  }
0x9e: {  	_ =	swait.ge [sflag:s22], s20  }
0x9f: {  	s3 =	ssub.s32 $0x0, s20;
	[sflag:s22] =	ssyncset.done $0x0  }
0xa0: {  	[sflag:s22] =	ssyncadd.s32 s3;
	_ =	sdelay $0x1  }
0xa1: {  	s23 =	simm.s32 $0x1B8B  }
0xa2: {  	_ =	swait.ge [sflag:s23], $0x1  }
0xa3: {  	[sflag:s23] =	ssyncset.done $0x0  }
0xa4: {  	s25 =	simm.s32 $0x1B8E;
	s24 =	sld [smem:$0x3FFE];
	[sflag:s23] =	ssyncadd.s32 $0xFFFFFFFF  }
0xa5: {  	s26 =	simm.s32 $execute0_lowered;
	[smem:$0x3FD2] =	sst s25  }
0xa6: {  	s4 =	sshll.u32 s26, $0x1;
	_ =	strace $0x8000004C;
	[dreg:$0x1] =	wrdreg $0xFFFFFFFF  }
0xa7: {  	s28 =	simm.s32 $_size_execute0_lowered;
	s2 =	sadd.s32 s2, s4;
	[dreg:$0x0] =	wrdreg $0x0  }
0xa8: {  	s4 =	sshll.u32 s28, $0x1;
	[dreg:$0x2] =	wrdreg s2  }
0xa9: {  	[dreg:$0x3] =	wrdreg s4  }
0xaa: {  	[dreg:$0x4] =	wrdreg $0xC0  }
0xab: {  	_ =	task [dreg:s6], $0x5FFFF  }
0xac: {  	[dreg:$0x1] =	wrdreg $0xFFFFFFFF  }
0xad: {  	[dreg:$0x0] =	wrdreg $0x60  }
0xae: {  	[dreg:$0x2] =	wrdreg s24  }
0xaf: {  	[dreg:$0x3] =	wrdreg $0xB2200  }
0xb0: {  	[dreg:$0x4] =	wrdreg $0x9  }
0xb1: {  	_ =	task.clear_ibuf [dreg:s6], $0x5FFFF;
	_ =	strace $0x9000004C  }
0xb2: {  	s29 =	simm.s32 $0x9;
	_ =	strace $0x8000004E  }
0xb3: {  	_ =	swait.ge [sflag:s29], $0x1  }
0xb4: {  	[sflag:s29] =	ssyncadd.s32 $0xFFFFFFFF  }
0xb5: {  	_ =	strace $0x9000004E  }
0xb6: {  	_ =	sfence  }
0xb7: {  	s30 =	sld [smem:$0x0];
	_ =	sdelay $0x2  }
0xb8: {  	s31 =	sshll.u32 s1, $0xD;
	s1 =	sshrl.u32 s1, $0x2  }
0xb9: {  	s3 =	sand.u32 $0x4000, s31;
	s1 =	sadd.s32 s1, s30  }
0xba: {  	s0 =	sor.u32 s3, s0;
	s1 =	sshll.u32 s1, $0x11  }
0xbb: {  	s0 =	sor.u32 s1, s0  }
0xbc: {  	s0 =	sadd.s32 $0x8F2B, s0  }
0xbd: {  	[sflag:s0] =	ssyncadd.remote.s32 $0x1  }
0xbe: {  	_ =	sfence.sel $0xFFFF  }
0xbf: {  	[dreg:$0x0] =	wrdreg $0xFFFFFFFF;
	(pc) =	sbr.abs _section_cstart, $3  }
0xc0: {  	[dreg:$0x1] =	wrdreg $0xFFFFFFFF  }
0xc1: {  	_ =	task.clear_ibuf [dreg:s6], $0x2FFFF;
	_ =	strace $0x9FFFFFFF  }
0xc2: {  	(tm) =	ssettm $0x7FFFFFFF  }
0xc3: {  	_ =	shalt  }
tec
execute0_lowered:
.L_overlay_start_1:
0x0: {  	(tag) =	ssettag $0x1  }
0x1: {  	s0 =	srdreg.scid;
	s6 =	rddreg [dreg:$0x0]  }
0x2: {  	s10 =	stileid.u32;
	s2 =	rddreg [dreg:$0x1]  }
0x3: {  	s3 =	simm.s32 $0x0;
	s12 =	simm.s32 $0x6;
	s14 =	simm.s32 $0x50  }
0x4: {  	s15 =	simm.s32 $0x4E20;
	s16 =	simm.s32 $0x6220;
	s18 =	simm.s32 $0x7620  }
0x5: {  	s20 =	simm.s32 $0x8A20;
	s21 =	simm.s32 $0x1;
	s22 =	simm.s32 $0x9E20  }
0x6: {  	s23 =	simm.s32 $0x2;
	s24 =	simm.s32 $0x3;
	s25 =	simm.s32 $0x4  }
0x7: {  	s29 =	simm.s32 $0x26C0;
	s30 =	simm.s32 $0x4CE0;
	s31 =	simm.s32 $0x4D30  }
0x8: {  	s13 =	simm.s32 $0x0;
	s0 =	sand.u32 $0x1, s0;
	s1 =	sshll.u32 s10, $0x1  }
0x9: {  	s7 =	smul.u32 $0xA000, s10;
	[smem:$0x7FF] =	sst s3;
	s4 =	sadd.s32 $0x15E00, s6  }
0xa: {  	s28 =	sshll.u32 s10, $0x6;
	s1 =	sor.u32 s0, s1;
	s5 =	smul.u32 $0xA0000, s0  }
0xb: {  	_ =	strace $0x8000004D;
	s0 =	ssub.s32 $0x2, s0;
	s1 =	smul.u32 $0x2710, s1  }
0xc: {  	s26 =	sshrl.u32 s0, $0x1;
	s11 =	sadd.s32 s7, s2;
	s8 =	sadd.s32 s7, s5  }
0xd: {  	s5 =	sadd.s32 $0x29800, s6;
	s0 =	ssub.s32 s0, s26;
	s11 =	sshrl.u32 s11, $0x3  }
0xe: {  	s26 =	simm.s32 $0x5;
	s1 =	sshrl.u32 s1, $0x3;
	s8 =	sshrl.u32 s8, $0x3  }
0xf: {  	s10 =	smax.u32 s0, $0x1;
	s0 =	simm.s32 $0x4DD0;
	s1 =	sadd.s32 s1, s6  }
0x10: {  	s9 =	sadd.s32 s8, s6;
	s6 =	sor.u32 $0x1C06, s28;
	s7 =	sadd.s32 $0x2400, s1  }
0x11: {  	s8 =	sadd.s32 $0xC040, s1;
	s9 =	sadd.s32 $0x2AC00, s9;
	s1 =	simm.s32 $0x4D80  }
.LBB2_1:
0x12: {  	[spmem:s11], [sflag:s6] =	dma.local [hbm:s5], $0x1400  }
0x13: {  	_ =	swait.ge [sflag:s12], $0x1400  }
0x14: {  	[sflag:s12] =	ssyncset.done $0x0  }
0x15: {  	[sflag:s12] =	ssyncadd.s32 $0xFFFFEC00  }
0x16: {  	[tilespmem:s3], [sflag:$0x6] =	stream.linear.gather [hbm4b:s7+s3], $0x2710, $0x38;
	[tilespmem:$0x15220] =	vst v63  }
0x17: {  	_ =	swait.ge [sflag:s12], $0x2710  }
0x18: {  	[sflag:s12] =	ssyncset.done $0x0  }
0x19: {  	s17 =	simm.s32 $0x2710;
	[sflag:s12] =	ssyncadd.s32 $0xFFFFD8F0  }
0x1a: {  	[tilespmem:s17], [sflag:$0x6] =	stream.linear.gather [hbm4b:s8+s3], $0x2710, $0x38;
	[tilespmem:$0x15220] =	vst v63  }
0x1b: {  	_ =	swait.ge [sflag:s12], $0x2710  }
0x1c: {  	[sflag:s12] =	ssyncset.done $0x0  }
0x1d: {  	[sflag:s12] =	ssyncadd.s32 $0xFFFFD8F0  }
0x1e: {  	[bflag:$0x0] =	sbarrier.arrive $0xFFFF  }
0x1f: {  	[tilespmem:s15], [sflag:$0x1] =	stream.indirect.gather [hbm4b:s4+s14], $0x40, s3, s14, $0xb8;
	[tilespmem:$0x15220] =	vst v63  }
0x20: {  	_ = 	snop  }
0x21: {  	[tilespmem:s16], [sflag:$0x2] =	stream.indirect.gather [hbm4b:s4+s14], $0x40, s14, s14, $0xb8;
	[tilespmem:$0x15220] =	vst v63  }
0x22: {  	s28 =	simm.s32 $0xA0  }
0x23: {  	[tilespmem:s18], [sflag:$0x3] =	stream.indirect.gather [hbm4b:s4+s14], $0x40, s28, s14, $0xb8;
	[tilespmem:$0x15220] =	vst v63  }
0x24: {  	s19 =	simm.s32 $0xF0  }
0x25: {  	[tilespmem:s20], [sflag:$0x4] =	stream.indirect.gather [hbm4b:s4+s14], $0x40, s19, s14, $0xb8;
	[tilespmem:$0x15220] =	vst v63  }
0x26: {  	_ =	swait.ge [sflag:s21], $0x1400  }
0x27: {  	[sflag:s21] =	ssyncset.done $0x0  }
0x28: {  	s28 =	simm.s32 $0x2710;
	[sflag:s21] =	ssyncadd.s32 $0xFFFFEC00  }
0x29: {  	[spmem:s2] =	stream.indirect.scatter.add.f32 [tilespmem:s15], [sflag:$0x6], $0x40, s28, s14, $0xb8;
	[tilespmem:$0x15220] =	vst v63  }
0x2a: {  	_ =	swait.ge [sflag:s12], $0x1400  }
0x2b: {  	[sflag:s12] =	ssyncset.done $0x0  }
0x2c: {  	s19 =	simm.s32 $0x140;
	[sflag:s12] =	ssyncadd.s32 $0xFFFFEC00  }
0x2d: {  	[tilespmem:s22], [sflag:$0x5] =	stream.indirect.gather [hbm4b:s4+s14], $0x40, s19, s14, $0xb8;
	[tilespmem:$0x15220] =	vst v63  }
0x2e: {  	_ =	swait.ge [sflag:s23], $0x1400  }
0x2f: {  	[sflag:s23] =	ssyncset.done $0x0  }
0x30: {  	s28 =	simm.s32 $0x2760;
	[sflag:s23] =	ssyncadd.s32 $0xFFFFEC00  }
0x31: {  	[spmem:s2] =	stream.indirect.scatter.add.f32 [tilespmem:s16], [sflag:$0x6], $0x40, s28, s14, $0xb8;
	[tilespmem:$0x15220] =	vst v63  }
0x32: {  	_ =	swait.ge [sflag:s12], $0x1400  }
0x33: {  	[sflag:s12] =	ssyncset.done $0x0  }
0x34: {  	s19 =	simm.s32 $0x190;
	[sflag:s12] =	ssyncadd.s32 $0xFFFFEC00  }
0x35: {  	[tilespmem:s15], [sflag:$0x1] =	stream.indirect.gather [hbm4b:s4+s14], $0x40, s19, s14, $0xb8;
	[tilespmem:$0x15220] =	vst v63  }
0x36: {  	_ =	swait.ge [sflag:s24], $0x1400  }
0x37: {  	[sflag:s24] =	ssyncset.done $0x0  }
0x38: {  	s28 =	simm.s32 $0x27B0;
	[sflag:s24] =	ssyncadd.s32 $0xFFFFEC00  }
0x39: {  	[spmem:s2] =	stream.indirect.scatter.add.f32 [tilespmem:s18], [sflag:$0x6], $0x40, s28, s14, $0xb8;
	[tilespmem:$0x15220] =	vst v63  }
0x3a: {  	_ =	swait.ge [sflag:s12], $0x1400  }
0x3b: {  	[sflag:s12] =	ssyncset.done $0x0  }
0x3c: {  	s19 =	simm.s32 $0x1E0;
	[sflag:s12] =	ssyncadd.s32 $0xFFFFEC00  }
0x3d: {  	[tilespmem:s16], [sflag:$0x2] =	stream.indirect.gather [hbm4b:s4+s14], $0x40, s19, s14, $0xb8;
	[tilespmem:$0x15220] =	vst v63  }
0x3e: {  	_ =	swait.ge [sflag:s25], $0x1400  }
0x3f: {  	[sflag:s25] =	ssyncset.done $0x0  }
0x40: {  	s28 =	simm.s32 $0x2800;
	[sflag:s25] =	ssyncadd.s32 $0xFFFFEC00  }
0x41: {  	[spmem:s2] =	stream.indirect.scatter.add.f32 [tilespmem:s20], [sflag:$0x6], $0x40, s28, s14, $0xb8;
	[tilespmem:$0x15220] =	vst v63  }
0x42: {  	_ =	swait.ge [sflag:s12], $0x1400  }
0x43: {  	[sflag:s12] =	ssyncset.done $0x0  }
0x44: {  	s19 =	simm.s32 $0x230;
	[sflag:s12] =	ssyncadd.s32 $0xFFFFEC00  }
0x45: {  	[tilespmem:s18], [sflag:$0x3] =	stream.indirect.gather [hbm4b:s4+s14], $0x40, s19, s14, $0xb8;
	[tilespmem:$0x15220] =	vst v63  }
0x46: {  	_ =	swait.ge [sflag:s26], $0x1400  }
0x47: {  	[sflag:s26] =	ssyncset.done $0x0  }
0x48: {  	s28 =	simm.s32 $0x2850;
	[sflag:s26] =	ssyncadd.s32 $0xFFFFEC00  }
0x49: {  	[spmem:s2] =	stream.indirect.scatter.add.f32 [tilespmem:s22], [sflag:$0x6], $0x40, s28, s14, $0xb8;
	[tilespmem:$0x15220] =	vst v63  }
0x4a: {  	_ =	swait.ge [sflag:s12], $0x1400  }
0x4b: {  	[sflag:s12] =	ssyncset.done $0x0  }
0x4c: {  	s17 =	simm.s32 $0x640;
	s19 =	simm.s32 $0x280;
	[sflag:s12] =	ssyncadd.s32 $0xFFFFEC00  }
.LBB2_2:
0x4d: {  	[tilespmem:s20], [sflag:$0x4] =	stream.indirect.gather [hbm4b:s4+s14], $0x40, s19, s14, $0xb8;
	[tilespmem:$0x15220] =	vst v63  }
0x4e: {  	s19 =	smov.u32 s17  }
0x4f: {  	p0 =	sne.s32 s17, $0x8FC0;
	s17 =	sadd.s32 $0x640, s17;
	_ =	swait.ge [sflag:s21], $0x1400  }
0x50: {  	s19 =	sshra.s32 s19, $0x2;
	[sflag:s21] =	ssyncset.done $0x0  }
0x51: {  	s28 =	sadd.s32 $0x2710, s19;
	[sflag:s21] =	ssyncadd.s32 $0xFFFFEC00  }
0x52: {  	[spmem:s2] =	stream.indirect.scatter.add.f32 [tilespmem:s15], [sflag:$0x6], $0x40, s28, s14, $0xb8;
	[tilespmem:$0x15220] =	vst v63  }
0x53: {  	_ =	swait.ge [sflag:s12], $0x1400  }
0x54: {  	[sflag:s12] =	ssyncset.done $0x0  }
0x55: {  	s28 =	sadd.s32 $0x140, s19;
	[sflag:s12] =	ssyncadd.s32 $0xFFFFEC00  }
0x56: {  	[tilespmem:s22], [sflag:$0x5] =	stream.indirect.gather [hbm4b:s4+s14], $0x40, s28, s14, $0xb8;
	[tilespmem:$0x15220] =	vst v63  }
0x57: {  	_ =	swait.ge [sflag:s23], $0x1400  }
0x58: {  	[sflag:s23] =	ssyncset.done $0x0  }
0x59: {  	s28 =	sadd.s32 $0x2760, s19;
	[sflag:s23] =	ssyncadd.s32 $0xFFFFEC00  }
0x5a: {  	[spmem:s2] =	stream.indirect.scatter.add.f32 [tilespmem:s16], [sflag:$0x6], $0x40, s28, s14, $0xb8;
	[tilespmem:$0x15220] =	vst v63  }
0x5b: {  	_ =	swait.ge [sflag:s12], $0x1400  }
0x5c: {  	[sflag:s12] =	ssyncset.done $0x0  }
0x5d: {  	s28 =	sadd.s32 $0x190, s19;
	[sflag:s12] =	ssyncadd.s32 $0xFFFFEC00  }
0x5e: {  	[tilespmem:s15], [sflag:$0x1] =	stream.indirect.gather [hbm4b:s4+s14], $0x40, s28, s14, $0xb8;
	[tilespmem:$0x15220] =	vst v63  }
0x5f: {  	_ =	swait.ge [sflag:s24], $0x1400  }
0x60: {  	[sflag:s24] =	ssyncset.done $0x0  }
0x61: {  	s28 =	sadd.s32 $0x27B0, s19;
	[sflag:s24] =	ssyncadd.s32 $0xFFFFEC00  }
0x62: {  	[spmem:s2] =	stream.indirect.scatter.add.f32 [tilespmem:s18], [sflag:$0x6], $0x40, s28, s14, $0xb8;
	[tilespmem:$0x15220] =	vst v63  }
0x63: {  	_ =	swait.ge [sflag:s12], $0x1400  }
0x64: {  	[sflag:s12] =	ssyncset.done $0x0  }
0x65: {  	s28 =	sadd.s32 $0x1E0, s19;
	[sflag:s12] =	ssyncadd.s32 $0xFFFFEC00  }
0x66: {  	[tilespmem:s16], [sflag:$0x2] =	stream.indirect.gather [hbm4b:s4+s14], $0x40, s28, s14, $0xb8;
	[tilespmem:$0x15220] =	vst v63  }
0x67: {  	_ =	swait.ge [sflag:s25], $0x1400  }
0x68: {  	[sflag:s25] =	ssyncset.done $0x0  }
0x69: {  	s28 =	sadd.s32 $0x2800, s19;
	[sflag:s25] =	ssyncadd.s32 $0xFFFFEC00  }
0x6a: {  	[spmem:s2] =	stream.indirect.scatter.add.f32 [tilespmem:s20], [sflag:$0x6], $0x40, s28, s14, $0xb8;
	[tilespmem:$0x15220] =	vst v63  }
0x6b: {  	_ =	swait.ge [sflag:s12], $0x1400  }
0x6c: {  	[sflag:s12] =	ssyncset.done $0x0  }
0x6d: {  	s28 =	sadd.s32 $0x230, s19;
	[sflag:s12] =	ssyncadd.s32 $0xFFFFEC00  }
0x6e: {  	[tilespmem:s18], [sflag:$0x3] =	stream.indirect.gather [hbm4b:s4+s14], $0x40, s28, s14, $0xb8;
	[tilespmem:$0x15220] =	vst v63  }
0x6f: {  	_ =	swait.ge [sflag:s26], $0x1400  }
0x70: {  	[sflag:s26] =	ssyncset.done $0x0  }
.Ltmp0:
0x71: {  	s28 =	sadd.s32 $0x2850, s19;
	[sflag:s26] =	ssyncadd.s32 $0xFFFFEC00;
	(pc) =	sbr.rel @p0 .LBB2_2-.Ltmp0, $4  }
0x72: {  	[spmem:s2] =	stream.indirect.scatter.add.f32 [tilespmem:s22], [sflag:$0x6], $0x40, s28, s14, $0xb8;
	[tilespmem:$0x15220] =	vst v63  }
0x73: {  	_ =	swait.ge [sflag:s12], $0x1400  }
0x74: {  	[sflag:s12] =	ssyncset.done $0x0  }
0x75: {  	s19 =	sadd.s32 $0x280, s19;
	[sflag:s12] =	ssyncadd.s32 $0xFFFFEC00  }
0x76: {  	[tilespmem:s20], [sflag:$0x4] =	stream.indirect.gather [hbm4b:s4+s14], $0x40, s19, s14, $0xb8;
	[tilespmem:$0x15220] =	vst v63  }
0x77: {  	_ =	swait.ge [sflag:s21], $0x1400  }
0x78: {  	[sflag:s21] =	ssyncset.done $0x0  }
0x79: {  	s17 =	simm.s32 $0x4C90;
	[sflag:s21] =	ssyncadd.s32 $0xFFFFEC00  }
0x7a: {  	[spmem:s2] =	stream.indirect.scatter.add.f32 [tilespmem:s15], [sflag:$0x6], $0x40, s17, s14, $0xb8;
	[tilespmem:$0x15220] =	vst v63  }
0x7b: {  	_ =	swait.ge [sflag:s12], $0x1400  }
0x7c: {  	[sflag:s12] =	ssyncset.done $0x0  }
0x7d: {  	[sflag:s12] =	ssyncadd.s32 $0xFFFFEC00  }
0x7e: {  	[tilespmem:s22], [sflag:$0x5] =	stream.indirect.gather [hbm4b:s4+s14], $0x40, s29, s14, $0xb8;
	[tilespmem:$0x15220] =	vst v63  }
0x7f: {  	_ =	swait.ge [sflag:s23], $0x1400  }
0x80: {  	[sflag:s23] =	ssyncset.done $0x0  }
0x81: {  	[sflag:s23] =	ssyncadd.s32 $0xFFFFEC00  }
0x82: {  	[spmem:s2] =	stream.indirect.scatter.add.f32 [tilespmem:s16], [sflag:$0x6], $0x40, s30, s14, $0xb8;
	[tilespmem:$0x15220] =	vst v63  }
0x83: {  	_ =	swait.ge [sflag:s12], $0x1400  }
0x84: {  	[sflag:s12] =	ssyncset.done $0x0  }
0x85: {  	[sflag:s12] =	ssyncadd.s32 $0xFFFFEC00  }
0x86: {  	_ =	swait.ge [sflag:s24], $0x1400  }
0x87: {  	[sflag:s24] =	ssyncset.done $0x0  }
0x88: {  	[sflag:s24] =	ssyncadd.s32 $0xFFFFEC00  }
0x89: {  	[spmem:s2] =	stream.indirect.scatter.add.f32 [tilespmem:s18], [sflag:$0x6], $0x40, s31, s14, $0xb8;
	[tilespmem:$0x15220] =	vst v63  }
0x8a: {  	_ =	swait.ge [sflag:s12], $0x1400  }
0x8b: {  	[sflag:s12] =	ssyncset.done $0x0  }
0x8c: {  	[sflag:s12] =	ssyncadd.s32 $0xFFFFEC00  }
0x8d: {  	_ =	swait.ge [sflag:s25], $0x1400  }
0x8e: {  	[sflag:s25] =	ssyncset.done $0x0  }
0x8f: {  	[sflag:s25] =	ssyncadd.s32 $0xFFFFEC00  }
0x90: {  	[spmem:s2] =	stream.indirect.scatter.add.f32 [tilespmem:s20], [sflag:$0x6], $0x40, s1, s14, $0xb8;
	[tilespmem:$0x15220] =	vst v63  }
0x91: {  	_ =	swait.ge [sflag:s12], $0x1400  }
0x92: {  	[sflag:s12] =	ssyncset.done $0x0  }
0x93: {  	[sflag:s12] =	ssyncadd.s32 $0xFFFFEC00  }
0x94: {  	_ =	swait.ge [sflag:s26], $0x1400  }
0x95: {  	[sflag:s26] =	ssyncset.done $0x0  }
0x96: {  	[sflag:s26] =	ssyncadd.s32 $0xFFFFEC00  }
0x97: {  	[spmem:s2] =	stream.indirect.scatter.add.f32 [tilespmem:s22], [sflag:$0x6], $0x40, s0, s14, $0xb8;
	[tilespmem:$0x15220] =	vst v63  }
0x98: {  	_ =	swait.ge [sflag:s12], $0x1400  }
0x99: {  	s13 =	sadd.s32 $0x1, s13;
	[sflag:s12] =	ssyncset.done $0x0  }
0x9a: {  	p0 =	sne.s32 s13, s10;
	[sflag:s12] =	ssyncadd.s32 $0xFFFFEC00  }
.Ltmp1:
0x9b: {  	[bflag:$0x0] =	sbarrier.arrive $0xFFFF;
	(pc) =	sbr.rel @p0 .LBB2_1-.Ltmp1, $4  }
0x9c: {  	[hbm:s9], [sflag:s6] =	dma.local [spmem:s11], $0x1400  }
0x9d: {  	_ =	swait.ge [sflag:s12], $0x1400  }
0x9e: {  	[sflag:s12] =	ssyncset.done $0x0  }
0x9f: {  	[sflag:s12] =	ssyncadd.s32 $0xFFFFEC00  }
0xa0: {  	_ =	sfence.sel $0x180000  }
0xa1: {  	[bflag:$0x0] =	sbarrier.arrive $0xFFFF  }
0xa2: {  	_ =	strace $0x9000004D  }
0xa3: {  	s0 =	stileid.u32;
	[bflag:$0x2] =	sbarrier.arrive $0xFFFF  }
0xa4: {  	p0 =	sne.s32 s0, $0x0;
	s0 =	rddreg [dreg:$0x2]  }
0xa5: {  	s0 =	sadd.s32 @!p0 $0x100000, s0  }
0xa6: {  	[sflag:s0] =	ssyncadd.tile.s32 @!p0 $0x1;
	_ =	shalt  }
.Lfunc_end2:
_tile_overlayer_lowered:
.L_overlay_start_2:
0xa7: {  	(tag) =	ssettag $0x2  }
0xa8: {  	s0 =	rddreg [dreg:$0x0];
	s2 =	stileid.u32  }
0xa9: {  	s1 =	rddreg [dreg:$0x1];
	p0 =	sne.s32 s2, $0x0  }
0xaa: {  	s3 =	rddreg [dreg:$0x2];
	[bflag:$0x3] =	sbarrier.arrive $0xFFFF;
	s2 =	simm.s32 @!p0 $0x1C06  }
0xab: {  	[timem:s3], [sflag:s2] =	dma.local @!p0 [hbm:s0], s1  }
0xac: {  	s0 =	simm.s32 @!p0 $0x6  }
0xad: {  	_ =	swait.ge @!p0 [sflag:s0], s1  }
0xae: {  	s1 =	ssub.s32 @!p0 $0x0, s1;
	[sflag:s0] =	ssyncset.done @!p0 $0x0  }
0xaf: {  	[sflag:s0] =	ssyncadd.s32 @!p0 s1  }
0xb0: {  	[bflag:$0x3] =	sbarrier.arrive $0xFFFF  }
0xb1: {  	_ =	shalt  }

// kernel: kernel.9.cloned.1.call-start
scs
__scs_entry_jumppad:
0x0: {  	(pc) =	sbr.rel $0x88, $3  }
0x1: {  	(tag) =	ssettag $0x0;
	lr =	simm.s32 $0x1  }
0x2: {  	[smem:$0x3F99] =	sst lr;
	_ =	strace $0xD0000000  }
0x3: {  	_ = 	snop  }
0x4: {  	_ = 	snop  }
0x5: {  	_ = 	snop  }
0x6: {  	_ = 	snop  }
0x7: {  	_ = 	snop  }
__scs_overlays_trampoline_lowered:
0x8: {  	[smem:$0x3FA8] =	sst s0  }
0x9: {  	[smem:$0x3FA9] =	sst s1  }
0xa: {  	[smem:$0x3FAA] =	sst s2  }
0xb: {  	[smem:$0x3FAB] =	sst s3  }
0xc: {  	[smem:$0x3FAC] =	sst s4  }
0xd: {  	[smem:$0x3FAD] =	sst s5  }
0xe: {  	[smem:$0x3FAE] =	sst s6  }
0xf: {  	[smem:$0x3FAF] =	sst s7  }
0x10: {  	[smem:$0x3FB0] =	sst s8  }
0x11: {  	[smem:$0x3FB1] =	sst s9;
	s0 =	simm.s32 @!p0 $0x0  }
0x12: {  	s1 =	sld [smem:$0x3F97];
	s0 =	simm.s32 @p0 $0x1  }
0x13: {  	[smem:$0x3FB2] =	sst s0;
	s0 =	simm.s32 @!p1 $0x0  }
0x14: {  	s2 =	sld [smem:$0x3F96];
	s0 =	simm.s32 @p1 $0x1  }
0x15: {  	[smem:$0x3FB3] =	sst s0;
	s0 =	simm.s32 @!p2 $0x0  }
0x16: {  	s3 =	sld [smem:$0x3FDB];
	s0 =	simm.s32 @p2 $0x1  }
0x17: {  	s4 =	simm.s32 $0x1BF5;
	[smem:$0x3FB5] =	sst s0  }
0x18: {  	s0 =	sld [smem:$0x3F98];
	_ =	swait.ge [sflag:s4], $0x0  }
0x19: {  	s7 =	sld [smem:$0x3F99]  }
0x1a: {  	s8 =	sadd.s32 $0xFFFFE003, lr  }
0x1b: {  	s9 =	sadd.s32 $0xFFFFFEF7, lr;
	s5 =	simm.s32 $0xFFFFFFFF;
	p2 =	slt.u32 s8, $0xFFFFF086  }
0x1c: {  	p1 =	slt.u32 s9, $0xF7A;
	s5 =	simm.s32 @!p2 $0x0  }
0x1d: {  	s5 =	simm.s32 @p1 $0x1;
	p0 =	seq.s32 s7, s2  }
0x1e: {  	s7 =	smul.u32 @!p0 $0xF7A, s2;
	p2 =	seq.s32 @!p0 s5, $0x0  }
0x1f: {  	s9 =	smul.u32 $0xF7A, s1;
	s8 =	simm.s32 @!p0 $0x1BF5;
	p2 =	por !p2, p0  }
0x20: {  	[sflag:s8] =	ssyncset.s32 @!p0 $0xFFFFF086;
	s6 =	sadd.s32 @!p0 s3, s7;
	s7 =	simm.s32 @!p0 $0x108  }
0x21: {  	s3 =	sadd.s32 s3, s9;
	s6 =	sadd.s32 @!p0 $0x88, s6;
	s7 =	simm.s32 @p2 $0x1082  }
0x22: {  	[simem:s7], [sflag:s8] =	dma.local @!p0 [hbm:s6], $0xF7A  }
0x23: {  	s9 =	sor.u32 $0xD0000000, s2;
	s6 =	simm.s32 $0x108;
	_ =	swait.ge @!p0 [sflag:s8], $0x0  }
0x24: {  	s3 =	sadd.s32 $0x88, s3;
	s6 =	simm.s32 @!p1 $0x1082;
	[sflag:s4] =	ssyncset.s32 $0xFFFFF086  }
0x25: {  	[simem:s6], [sflag:s4] =	dma.local [hbm:s3], $0xF7A  }
0x26: {  	[smem:$0x3F99] =	sst s1;
	(tag) =	ssettag s2;
	_ =	strace s9  }
0x27: {  	s1 =	sld [smem:$0x3FA9]  }
0x28: {  	s2 =	sld [smem:$0x3FAA]  }
0x29: {  	s4 =	sld [smem:$0x3FAC]  }
0x2a: {  	p0 =	seq.s32 s5, $0x0;
	s5 =	sld [smem:$0x3FAD]  }
0x2b: {  	s6 =	sld [smem:$0x3FAE]  }
0x2c: {  	s7 =	sld [smem:$0x3FAF]  }
0x2d: {  	s3 =	simm.s32 $0x108;
	s8 =	sld [smem:$0x3FB0]  }
0x2e: {  	s3 =	simm.s32 @!p0 $0x1082;
	s9 =	sld [smem:$0x3FB1]  }
0x2f: {  	lr =	sadd.s32 s0, s3;
	s0 =	sld [smem:$0x3FA8]  }
0x30: {  	s3 =	sld [smem:$0x3FAB]  }
0x31: {  	[smem:$0x3FB4] =	sst s10  }
0x32: {  	s10 =	sld [smem:$0x3FB2];
	_ =	sdelay $0x3  }
0x33: {  	p0 =	seq.s32 s10, $0x1;
	s10 =	sld [smem:$0x3FB4];
	_ =	sdelay $0x3  }
0x34: {  	[smem:$0x3FB4] =	sst s10  }
0x35: {  	s10 =	sld [smem:$0x3FB3];
	_ =	sdelay $0x3  }
0x36: {  	p1 =	seq.s32 s10, $0x1;
	s10 =	sld [smem:$0x3FB4];
	_ =	sdelay $0x3  }
0x37: {  	[smem:$0x3FB4] =	sst s10  }
0x38: {  	s10 =	sld [smem:$0x3FB5]  }
0x39: {  	_ = 	snop;
	(pc) =	sbr.ind lr, $3  }
0x3a: {  	_ = 	snop  }
0x3b: {  	_ = 	snop  }
0x3c: {  	p2 =	seq.s32 s10, $0x1;
	s10 =	sld [smem:$0x3FB4]  }
0x3d: {  	_ =	shalt  }
0x3e: {  	_ =	shalt  }
0x3f: {  	_ =	shalt  }
0x40: {  	_ =	shalt  }
0x41: {  	_ =	shalt  }
0x42: {  	_ =	shalt  }
0x43: {  	_ =	shalt  }
0x44: {  	_ =	shalt  }
0x45: {  	_ =	shalt  }
0x46: {  	_ =	shalt  }
0x47: {  	_ =	shalt  }
0x48: {  	_ =	shalt  }
0x49: {  	_ =	shalt  }
0x4a: {  	_ =	shalt  }
0x4b: {  	_ =	shalt  }
0x4c: {  	_ =	shalt  }
0x4d: {  	_ =	shalt  }
0x4e: {  	_ =	shalt  }
0x4f: {  	_ =	shalt  }
0x50: {  	_ =	shalt  }
0x51: {  	_ =	shalt  }
0x52: {  	_ =	shalt  }
0x53: {  	_ =	shalt  }
0x54: {  	_ =	shalt  }
0x55: {  	_ =	shalt  }
0x56: {  	_ =	shalt  }
0x57: {  	_ =	shalt  }
0x58: {  	_ =	shalt  }
0x59: {  	_ =	shalt  }
0x5a: {  	_ =	shalt  }
0x5b: {  	_ =	shalt  }
0x5c: {  	_ =	shalt  }
0x5d: {  	_ =	shalt  }
0x5e: {  	_ =	shalt  }
0x5f: {  	_ =	shalt  }
0x60: {  	_ =	shalt  }
0x61: {  	_ =	shalt  }
0x62: {  	_ =	shalt  }
0x63: {  	_ =	shalt  }
0x64: {  	_ =	shalt  }
0x65: {  	_ =	shalt  }
0x66: {  	_ =	shalt  }
0x67: {  	_ =	shalt  }
0x68: {  	_ =	shalt  }
0x69: {  	_ =	shalt  }
0x6a: {  	_ =	shalt  }
0x6b: {  	_ =	shalt  }
0x6c: {  	_ =	shalt  }
0x6d: {  	_ =	shalt  }
0x6e: {  	_ =	shalt  }
0x6f: {  	_ =	shalt  }
0x70: {  	_ =	shalt  }
0x71: {  	_ =	shalt  }
0x72: {  	_ =	shalt  }
0x73: {  	_ =	shalt  }
0x74: {  	_ =	shalt  }
0x75: {  	_ =	shalt  }
0x76: {  	_ =	shalt  }
0x77: {  	_ =	shalt  }
0x78: {  	_ =	shalt  }
0x79: {  	_ =	shalt  }
0x7a: {  	_ =	shalt  }
0x7b: {  	_ =	shalt  }
0x7c: {  	_ =	shalt  }
0x7d: {  	_ =	shalt  }
0x7e: {  	_ =	shalt  }
0x7f: {  	_ =	shalt  }
0x80: {  	_ =	shalt  }
0x81: {  	_ =	shalt  }
0x82: {  	_ =	shalt  }
0x83: {  	_ =	shalt  }
0x84: {  	_ =	shalt  }
0x85: {  	_ =	shalt  }
0x86: {  	_ =	shalt  }
0x87: {  	_ =	shalt  }
.Lfunc_end0:
.L_simem_size_0:
called_computation_lowered:
.L_overlay_start_0:
0x88: {  	s2 =	sld [smem:$0x3FD9]  }
0x89: {  	s3 =	sld [smem:$0x3FFE];
	_ =	sdelay $0x1  }
0x8a: {  	s1 =	srdreg.scid  }
0x8b: {  	s0 =	sand.u32 $0x1, s1  }
0x8c: {  	s17 =	sshll.u32 s0, $0xA;
	s2 =	sadd.s32 s3, s2  }
0x8d: {  	s2 =	sadd.s32 s2, s17  }
0x8e: {  	[smem:$0x3FC0] =	sst s2  }
0x8f: {  	_ = 	snop  }
0x90: {  	s2 =	sld [smem:$0x3FD0];
	(tm) =	ssettm $0x1  }
0x91: {  	s18 =	sld [smem:$0x3FFB];
	_ =	sdelay $0x3  }
0x92: {  	_ =	strace s18  }
0x93: {  	s3 =	sld [smem:$0x3FFC];
	_ =	sdelay $0x3  }
0x94: {  	_ =	strace s3  }
0x95: {  	s3 =	sld [smem:$0x3FFD];
	_ =	sdelay $0x3  }
0x96: {  	_ =	strace s3  }
0x97: {  	_ =	strace $0x8FFFFFFF  }
0x98: {  	s19 =	sld [smem:$0x3FDB];
	_ =	sdelay $0x1  }
0x99: {  	s4 =	simm.s32 $_scs_section_size  }
0x9a: {  	s5 =	simm.s32 $_size__tile_overlayer_lowered;
	s6 =	simm.s32 $_tile_overlayer_lowered  }
0x9b: {  	s22 =	simm.s32 $0x1BFF;
	s21 =	sshll.u32 s6, $0x1;
	s3 =	sadd.s32 s4, s19  }
0x9c: {  	s7 =	simm.s32 $0x0;
	s20 =	sshll.u32 s5, $0x1;
	s5 =	sadd.s32 s21, s3  }
0x9d: {  	[timem:s7], [sflag:s22] =	dma.local [hbm:s5], s20  }
0x9e: {  	_ =	swait.ge [sflag:s22], s20  }
0x9f: {  	s4 =	ssub.s32 $0x0, s20;
	[sflag:s22] =	ssyncset.done $0x0  }
0xa0: {  	[sflag:s22] =	ssyncadd.s32 s4;
	_ =	sdelay $0x1  }
0xa1: {  	s23 =	simm.s32 $0x1B8B  }
0xa2: {  	_ =	swait.ge [sflag:s23], $0x1  }
0xa3: {  	[sflag:s23] =	ssyncset.done $0x0  }
0xa4: {  	s25 =	simm.s32 $0x1B8E;
	s24 =	sld [smem:$0x3FFE];
	[sflag:s23] =	ssyncadd.s32 $0xFFFFFFFF  }
0xa5: {  	s26 =	simm.s32 $execute0_lowered;
	[smem:$0x3FD2] =	sst s25  }
0xa6: {  	s5 =	sshll.u32 s26, $0x1;
	_ =	strace $0x80000046;
	[dreg:$0x1] =	wrdreg $0xFFFFFFFF  }
0xa7: {  	s28 =	simm.s32 $_size_execute0_lowered;
	s3 =	sadd.s32 s3, s5;
	[dreg:$0x0] =	wrdreg $0x0  }
0xa8: {  	s5 =	sshll.u32 s28, $0x1;
	[dreg:$0x2] =	wrdreg s3  }
0xa9: {  	[dreg:$0x3] =	wrdreg s5  }
0xaa: {  	[dreg:$0x4] =	wrdreg $0xC0  }
0xab: {  	_ =	task [dreg:s7], $0x5FFFF  }
0xac: {  	[dreg:$0x1] =	wrdreg $0xFFFFFFFF  }
0xad: {  	[dreg:$0x0] =	wrdreg $0x60  }
0xae: {  	[dreg:$0x2] =	wrdreg s24  }
0xaf: {  	[dreg:$0x3] =	wrdreg s2  }
0xb0: {  	[dreg:$0x4] =	wrdreg $0x2C100  }
0xb1: {  	[dreg:$0x5] =	wrdreg $0x9  }
0xb2: {  	_ =	task.clear_ibuf [dreg:s7], $0x6FFFF;
	_ =	strace $0x90000046  }
0xb3: {  	s29 =	simm.s32 $0x9;
	_ =	strace $0x80000048  }
0xb4: {  	_ =	swait.ge [sflag:s29], $0x1  }
0xb5: {  	[sflag:s29] =	ssyncadd.s32 $0xFFFFFFFF  }
0xb6: {  	_ =	strace $0x90000048  }
0xb7: {  	_ =	sfence  }
0xb8: {  	s30 =	sld [smem:$0x0];
	_ =	sdelay $0x2  }
0xb9: {  	s31 =	sshll.u32 s1, $0xD;
	s1 =	sshrl.u32 s1, $0x2  }
0xba: {  	s3 =	sand.u32 $0x4000, s31;
	s1 =	sadd.s32 s1, s30  }
0xbb: {  	s0 =	sor.u32 s3, s0;
	s1 =	sshll.u32 s1, $0x11  }
0xbc: {  	s0 =	sor.u32 s1, s0  }
0xbd: {  	s0 =	sadd.s32 $0x8F2B, s0  }
0xbe: {  	[sflag:s0] =	ssyncadd.remote.s32 $0x1  }
0xbf: {  	_ =	sfence.sel $0xFFFF  }
0xc0: {  	[dreg:$0x0] =	wrdreg $0xFFFFFFFF;
	(pc) =	sbr.abs _section_cstart, $3  }
0xc1: {  	[dreg:$0x1] =	wrdreg $0xFFFFFFFF  }
0xc2: {  	_ =	task.clear_ibuf [dreg:s7], $0x2FFFF;
	_ =	strace $0x9FFFFFFF  }
0xc3: {  	(tm) =	ssettm $0x7FFFFFFF  }
tec
execute0_lowered:
.L_overlay_start_1:
0x0: {  	(tag) =	ssettag $0x1  }
0x1: {  	s7 =	rddreg [dreg:$0x0]  }
0x2: {  	s2 =	rddreg [dreg:$0x1];
	s1 =	srdreg.scid  }
0x3: {  	s0 =	stileid.u32;
	s3 =	rddreg [dreg:$0x2];
	s4 =	simm.s32 $0x0  }
0x4: {  	s13 =	simm.s32 $0x50;
	s14 =	simm.s32 $0x1;
	s15 =	simm.s32 $0x0  }
0x5: {  	s5 =	sand.u32 $0x1, s1;
	s6 =	smul.u32 $0x2800, s0;
	s1 =	rddreg [dreg:$0x3]  }
0x6: {  	[smem:$0x7FF] =	sst s4;
	s9 =	sshll.u32 s0, $0x1;
	s31 =	sshll.u32 s0, $0x6  }
0x7: {  	s8 =	smul.u32 $0x28000, s5;
	_ =	strace $0x80000047;
	s9 =	sor.u32 s5, s9  }
0x8: {  	s10 =	ssub.s32 $0x2, s5;
	s5 =	sadd.s32 $0x15E00, s7;
	s9 =	smul.u32 $0x2710, s9  }
0x9: {  	s11 =	sshrl.u32 s10, $0x1;
	s12 =	sadd.s32 s6, s3;
	s8 =	sadd.s32 s6, s8  }
0xa: {  	s10 =	ssub.s32 s10, s11;
	s6 =	sor.u32 $0x1C02, s31;
	s8 =	sshrl.u32 s8, $0x3  }
0xb: {  	s11 =	simm.s32 $0x2;
	s9 =	sshrl.u32 s9, $0x3;
	s8 =	sadd.s32 s8, s7  }
0xc: {  	s7 =	sadd.s32 s7, s9;
	s9 =	smax.u32 s10, $0x1;
	s10 =	sshrl.u32 s12, $0x3  }
0xd: {  	s12 =	simm.s32 $0x2710;
	s7 =	sadd.s32 $0xC040, s7;
	s8 =	sadd.s32 $0x16000, s8  }
.LBB2_1:
0xe: {  	[spmem:s10], [sflag:s6] =	dma.local [hbm:s2], $0x500  }
0xf: {  	_ =	swait.ge [sflag:s11], $0x500  }
0x10: {  	[sflag:s11] =	ssyncset.done $0x0  }
0x11: {  	[sflag:s11] =	ssyncadd.s32 $0xFFFFFB00  }
0x12: {  	[tilespmem:s12], [sflag:$0x2] =	stream.linear.gather [hbm4b:s5+s4], $0x500, $0x38;
	[tilespmem:$0x5410] =	vst v63  }
0x13: {  	_ =	swait.ge [sflag:s11], $0x500  }
0x14: {  	[sflag:s11] =	ssyncset.done $0x0  }
0x15: {  	[sflag:s11] =	ssyncadd.s32 $0xFFFFFB00  }
0x16: {  	[tilespmem:s4], [sflag:$0x2] =	stream.linear.gather [hbm4b:s7+s4], $0x2710, $0x38;
	[tilespmem:$0x5410] =	vst v63  }
0x17: {  	_ =	swait.ge [sflag:s11], $0x2710  }
0x18: {  	[sflag:s11] =	ssyncset.done $0x0  }
0x19: {  	[sflag:s11] =	ssyncadd.s32 $0xFFFFD8F0  }
0x1a: {  	s16 =	simm.s32 $0x0;
	[bflag:$0x0] =	sbarrier.arrive $0xFFFF  }
.LBB2_2:
0x1b: {  	p0 =	sne.s32 s16, $0x9B00  }
.Ltmp0:
0x1c: {  	_ = 	snop;
	(pc) =	sbr.rel @p0 .LBB2_2-.Ltmp0, $3  }
0x1d: {  	_ =	sdelay $0x1  }
0x1e: {  	s17 =	sshra.s32 s16, $0x2;
	s16 =	sadd.s32 $0x140, s16  }
0x1f: {  	[spmem:s3] =	stream.indirect.scatter.add.f32 [tilespmem:s12], [sflag:$0x1], $0x10, s17, s13, $0xb8;
	[tilespmem:$0x5410] =	vst v63  }
0x20: {  	_ =	swait.ge [sflag:s14], $0x500  }
0x21: {  	s16 =	simm.s32 $0x7C;
	[sflag:s14] =	ssyncset.done $0x0  }
.LBB2_4:
0x22: {  	p0 =	sne.s32 s16, $0x1;
	s16 =	sadd.s32 $0xFFFFFFFF, s16;
	[sflag:s14] =	ssyncadd.s32 $0xFFFFFB00  }
.Ltmp1:
0x23: {  	(pc) =	sbr.rel @p0 .LBB2_4-.Ltmp1, $3  }
0x24: {  	_ =	sdelay $0x1  }
0x25: {  	_ =	swait.ge [sflag:s14], $0x500  }
0x26: {  	[sflag:s14] =	ssyncset.done $0x0  }
0x27: {  	s15 =	sadd.s32 $0x1, s15  }
0x28: {  	[sflag:s14] =	ssyncadd.s32 $0xFFFFFB00;
	p0 =	sne.s32 s15, s9  }
.Ltmp2:
0x29: {  	[bflag:$0x0] =	sbarrier.arrive $0xFFFF;
	(pc) =	sbr.rel @p0 .LBB2_1-.Ltmp2, $4  }
0x2a: {  	[hbm:s8], [sflag:s6] =	dma.local [spmem:s10], $0x500  }
0x2b: {  	_ =	swait.ge [sflag:s11], $0x500  }
0x2c: {  	[sflag:s11] =	ssyncset.done $0x0  }
0x2d: {  	[sflag:s11] =	ssyncadd.s32 $0xFFFFFB00  }
0x2e: {  	_ =	sfence.sel $0x180000  }
0x2f: {  	[bflag:$0x0] =	sbarrier.arrive $0xFFFF  }
0x30: {  	p0 =	sne.s32 s0, $0x0;
	_ =	strace $0x90000047  }
0x31: {  	s0 =	sadd.s32 @!p0 $0x100000, s1;
	[bflag:$0x2] =	sbarrier.arrive $0xFFFF  }
0x32: {  	[sflag:s0] =	ssyncadd.tile.s32 @!p0 $0x1;
	_ =	shalt  }
.Lfunc_end2:
_tile_overlayer_lowered:
.L_overlay_start_2:
0x33: {  	(tag) =	ssettag $0x2  }
0x34: {  	s0 =	rddreg [dreg:$0x0];
	s2 =	stileid.u32  }
0x35: {  	s1 =	rddreg [dreg:$0x1];
	p0 =	sne.s32 s2, $0x0  }
0x36: {  	s3 =	rddreg [dreg:$0x2];
	[bflag:$0x3] =	sbarrier.arrive $0xFFFF;
	s2 =	simm.s32 @!p0 $0x1C02  }
0x37: {  	[timem:s3], [sflag:s2] =	dma.local @!p0 [hbm:s0], s1  }
0x38: {  	s0 =	simm.s32 @!p0 $0x2  }
0x39: {  	_ =	swait.ge @!p0 [sflag:s0], s1  }
0x3a: {  	s1 =	ssub.s32 @!p0 $0x0, s1;
	[sflag:s0] =	ssyncset.done @!p0 $0x0  }
0x3b: {  	[sflag:s0] =	ssyncadd.s32 @!p0 s1  }
0x3c: {  	[bflag:$0x3] =	sbarrier.arrive $0xFFFF  }
0x3d: {  	_ =	shalt  }

</sc_bundles>
